<compile_context>
chip_gen: v7x
topology: tpu7x:2x2x1
jax: 0.10.2.dev20260603
libtpu: 0.0.44.dev20260713+nightly
codegen_flags: <defaults>
</compile_context>

<pallas_src>
import functools

import jax
import jax.numpy as jnp
from jax import lax
from jax.experimental import pallas as pl
from jax.experimental.pallas import tpu as pltpu
from jax.experimental.pallas import tpu_sc as plsc

D = 128
N = 320000
NC = 2
NS = 16
NW = NC * NS
L = 16
NVEC = D // L

N_SC = 102400
CH = 200
RPW = N_SC // NW
NCHUNK = RPW // CH

TCCH = 2720
NBUF = 8
N_TC = N - N_SC
NCH_TC = N_TC // TCCH

_mesh = plsc.VectorSubcoreMesh(core_axis_name="c", subcore_axis_name="s")


@functools.partial(
    pl.kernel,
    out_type=jax.ShapeDtypeStruct((NW * D,), jnp.float32),
    mesh=_mesh,
    scratch_types=[
        pltpu.VMEM((CH, D), jnp.float32),
        pltpu.VMEM((CH, D), jnp.float32),
        pltpu.VMEM((D,), jnp.float32),
        pltpu.SemaphoreType.DMA,
        pltpu.SemaphoreType.DMA,
    ],
)
def _sc_partial_sums(nbr_hbm, out_hbm, buf0, buf1, accv, sem0, sem1):
    wid = lax.axis_index("s") * NC + lax.axis_index("c")
    base = wid * RPW

    def start(chunk_idx, buf, sem):
        pltpu.async_copy(nbr_hbm.at[pl.ds(base + chunk_idx * CH, CH)], buf, sem)

    def wait(buf, sem):
        pltpu.make_async_copy(nbr_hbm.at[pl.ds(0, CH)], buf, sem).wait()

    def accum(buf, acc):
        def row_body(r, a):
            return tuple(a[v] + buf[r, pl.ds(v * L, L)] for v in range(NVEC))
        return lax.fori_loop(0, CH, row_body, acc, unroll=2)

    start(0, buf0, sem0)
    start(1, buf1, sem1)

    acc0 = tuple(jnp.zeros((L,), jnp.float32) for _ in range(NVEC))

    def outer(i, acc):
        wait(buf0, sem0)
        acc = accum(buf0, acc)

        @pl.when(i < NCHUNK // 2 - 1)
        def _():
            start(2 * i + 2, buf0, sem0)

        wait(buf1, sem1)
        acc = accum(buf1, acc)

        @pl.when(i < NCHUNK // 2 - 1)
        def _():
            start(2 * i + 3, buf1, sem1)

        return acc

    acc = lax.fori_loop(0, NCHUNK // 2, outer, acc0)

    for v in range(NVEC):
        accv[pl.ds(v * L, L)] = acc[v]
    pltpu.sync_copy(accv, out_hbm.at[pl.ds(wid * D, D)])


def _tc_reduce_kernel(x_hbm, o_ref, buf, sems):
    def start(chunk_idx, slot):
        pltpu.make_async_copy(
            x_hbm.at[pl.ds(N_SC + chunk_idx * TCCH, TCCH)],
            buf.at[slot],
            sems.at[slot],
        ).start()

    for s in range(NBUF):
        start(s, s)

    KCH = 4
    Q = TCCH // KCH

    def body(g, accs):
        slot = lax.rem(g, NBUF)
        pltpu.make_async_copy(
            x_hbm.at[pl.ds(N_SC, TCCH)], buf.at[slot], sems.at[slot]
        ).wait()
        accs = tuple(
            accs[k]
            + jnp.sum(buf[slot, pl.ds(k * Q, Q), :].reshape(Q // 8, 8, D), axis=0)
            for k in range(KCH)
        )

        @pl.when(g + NBUF < NCH_TC)
        def _():
            start(g + NBUF, slot)

        return accs

    accs0 = tuple(jnp.zeros((8, D), jnp.float32) for _ in range(KCH))
    accs = lax.fori_loop(0, NCH_TC, body, accs0)
    total = accs[0]
    for k in range(1, KCH):
        total += accs[k]
    o_ref[...] = total


def _tc_finish_kernel(p_ref, q_ref, c_ref, w_ref, b_ref, o_ref):
    agg = (jnp.sum(p_ref[...], axis=0, keepdims=True)
           + jnp.sum(q_ref[...], axis=0, keepdims=True) + c_ref[...])
    prod = lax.dot_general(
        agg, w_ref[...], (((1,), (1,)), ((), ())),
        preferred_element_type=jnp.float32,
    )
    o_ref[...] = jnp.maximum(prod + b_ref[...], 0.0)


def kernel(neighbor_embs, central_emb, W, b):
    sc_partials = _sc_partial_sums(neighbor_embs).reshape(NW, D)
    tc_partial = pl.pallas_call(
        _tc_reduce_kernel,
        in_specs=[pl.BlockSpec(memory_space=pl.ANY)],
        out_shape=jax.ShapeDtypeStruct((8, D), jnp.float32),
        scratch_shapes=[
            pltpu.VMEM((NBUF, TCCH, D), jnp.float32),
            pltpu.SemaphoreType.DMA((NBUF,)),
        ],
    )(neighbor_embs)
    out = pl.pallas_call(
        _tc_finish_kernel,
        out_shape=jax.ShapeDtypeStruct((1, D), jnp.float32),
    )(sc_partials, tc_partial, central_emb.reshape(1, D), W, b.reshape(1, D))
    return out[0]

# --- scband reference (transcript-rebuilt; emitter-appended) ---
"""Pipeline reference for scband-sum-aggregator-21174188769482 (READ-ONLY COPY).

The authoritative reference and input builder live on the scoring server;
editing this copy changes nothing except your own understanding.
"""

import jax, jax.numpy as jnp
import numpy as np

D = 128
N = 320000

def setup_inputs(seed: int = 0) -> dict:
    key = jax.random.key(seed)
    k1, k2, k3, k4 = jax.random.split(key, 4)
    neighbor_embs = jax.random.normal(k1, (N, D), dtype=jnp.float32)
    central_emb = jax.random.normal(k2, (D,), dtype=jnp.float32)
    # nn.Linear(D, D): weight (D, D), bias (D,), kaiming-uniform-ish init
    bound = 1.0 / np.sqrt(D)
    W = jax.random.uniform(k3, (D, D), dtype=jnp.float32, minval=-bound, maxval=bound)
    b = jax.random.uniform(k4, (D,), dtype=jnp.float32, minval=-bound, maxval=bound)
    return {"neighbor_embs": neighbor_embs, "central_emb": central_emb, "W": W, "b": b}

def reference(neighbor_embs, central_emb, W, b):
    agg_neighbors = jnp.sum(neighbor_embs, axis=0)
    combined = agg_neighbors + central_emb
    output = jax.nn.relu(combined @ W.T + b)
    return output

if __name__ == "__main__":
    import jax
    _d = setup_inputs()
    print(jax.jit(kernel)(*tuple(_d.values())))

</pallas_src>

<mosaic_0001>
#map = affine_map<(d0, d1) -> (0, 0)>
#map1 = affine_map<(d0, d1) -> (0)>
module attributes {stable_mosaic.version = 14 : i64} {
  func.func @_sc_partial_sums(%arg0: i32, %arg1: i32, %arg2: memref<320000x128xf32, #tpu.memory_space<hbm>>, %arg3: memref<4096xf32, #tpu.memory_space<hbm>>, %arg4: memref<200x128xf32, #tpu.memory_space<vmem>>, %arg5: memref<200x128xf32, #tpu.memory_space<vmem>>, %arg6: memref<128xf32, #tpu.memory_space<vmem>>, %arg7: memref<!tpu.dma_semaphore, #tpu.memory_space<semaphore_mem>>, %arg8: memref<!tpu.dma_semaphore, #tpu.memory_space<semaphore_mem>>) attributes {dimension_semantics = [#tpu.dimension_semantics<core_parallel>, #tpu.dimension_semantics<subcore_parallel>], iteration_bounds = array<i64: 2, 16>, scalar_prefetch = 0 : i64, scratch_operands = 5 : i64, tpu.core_type = #tpu.core_type<sc_vector_subcore>, window_params = [{transform_indices = #map}, {transform_indices = #map1}]} {
    %mul3A = arith.constant 2 : i32
    %mul3A_0 = arith.muli %arg1, %mul3A : i32
    %add3A = arith.addi %mul3A_0, %arg0 : i32
    %mul3A_1 = arith.constant 3200 : i32
    %mul3A_2 = arith.muli %add3A, %mul3A_1 : i32
    %add3A_3 = arith.constant 0 : i32
    %add3A_4 = arith.addi %mul3A_2, %add3A_3 : i32
    %dma_start3A = arith.constant 0 : i32
    %dma_start3A_5 = tpu.memref_slice %arg2[%add3A_4, %dma_start3A] : memref<320000x128xf32, #tpu.memory_space<hbm>> -> memref<200x128xf32, #tpu.memory_space<hbm>>
    %dma_start3A_6 = arith.constant 0 : i32
    %dma_start3A_7 = tpu.memref_slice %arg2[%add3A_4, %dma_start3A_6] : memref<320000x128xf32, #tpu.memory_space<hbm>> -> memref<200x128xf32, #tpu.memory_space<hbm>>
    tpu.enqueue_dma source(%dma_start3A_7 : memref<200x128xf32, #tpu.memory_space<hbm>>) target(%arg4 : memref<200x128xf32, #tpu.memory_space<vmem>>) target_semaphore(%arg7 : memref<!tpu.dma_semaphore, #tpu.memory_space<semaphore_mem>>)
    %add3A_8 = arith.constant 200 : i32
    %add3A_9 = arith.addi %mul3A_2, %add3A_8 : i32
    %dma_start3A_10 = arith.constant 0 : i32
    %dma_start3A_11 = tpu.memref_slice %arg2[%add3A_9, %dma_start3A_10] : memref<320000x128xf32, #tpu.memory_space<hbm>> -> memref<200x128xf32, #tpu.memory_space<hbm>>
    %dma_start3A_12 = arith.constant 0 : i32
    %dma_start3A_13 = tpu.memref_slice %arg2[%add3A_9, %dma_start3A_12] : memref<320000x128xf32, #tpu.memory_space<hbm>> -> memref<200x128xf32, #tpu.memory_space<hbm>>
    tpu.enqueue_dma source(%dma_start3A_13 : memref<200x128xf32, #tpu.memory_space<hbm>>) target(%arg5 : memref<200x128xf32, #tpu.memory_space<vmem>>) target_semaphore(%arg8 : memref<!tpu.dma_semaphore, #tpu.memory_space<semaphore_mem>>)
    %broadcast_in_dim3A = arith.constant 0.000000e+00 : f32
    %broadcast_in_dim3A_14 = vector.broadcast %broadcast_in_dim3A : f32 to vector<16xf32>
    %broadcast_in_dim3A_15 = arith.constant 0.000000e+00 : f32
    %broadcast_in_dim3A_16 = vector.broadcast %broadcast_in_dim3A_15 : f32 to vector<16xf32>
    %broadcast_in_dim3A_17 = arith.constant 0.000000e+00 : f32
    %broadcast_in_dim3A_18 = vector.broadcast %broadcast_in_dim3A_17 : f32 to vector<16xf32>
    %broadcast_in_dim3A_19 = arith.constant 0.000000e+00 : f32
    %broadcast_in_dim3A_20 = vector.broadcast %broadcast_in_dim3A_19 : f32 to vector<16xf32>
    %broadcast_in_dim3A_21 = arith.constant 0.000000e+00 : f32
    %broadcast_in_dim3A_22 = vector.broadcast %broadcast_in_dim3A_21 : f32 to vector<16xf32>
    %broadcast_in_dim3A_23 = arith.constant 0.000000e+00 : f32
    %broadcast_in_dim3A_24 = vector.broadcast %broadcast_in_dim3A_23 : f32 to vector<16xf32>
    %broadcast_in_dim3A_25 = arith.constant 0.000000e+00 : f32
    %broadcast_in_dim3A_26 = vector.broadcast %broadcast_in_dim3A_25 : f32 to vector<16xf32>
    %broadcast_in_dim3A_27 = arith.constant 0.000000e+00 : f32
    %broadcast_in_dim3A_28 = vector.broadcast %broadcast_in_dim3A_27 : f32 to vector<16xf32>
    %scan3A = arith.constant 0 : i32
    %scan3A_29 = arith.constant 8 : i32
    %scan3A_30 = arith.addi %scan3A, %scan3A_29 : i32
    %scan3A_31 = arith.constant 1 : i32
    %scan3A_32:8 = scf.for %scan3A_67 = %scan3A to %scan3A_30 step %scan3A_31 iter_args(%scan3A_68 = %broadcast_in_dim3A_14, %scan3A_69 = %broadcast_in_dim3A_16, %scan3A_70 = %broadcast_in_dim3A_18, %scan3A_71 = %broadcast_in_dim3A_20, %scan3A_72 = %broadcast_in_dim3A_22, %scan3A_73 = %broadcast_in_dim3A_24, %scan3A_74 = %broadcast_in_dim3A_26, %scan3A_75 = %broadcast_in_dim3A_28) -> (vector<16xf32>, vector<16xf32>, vector<16xf32>, vector<16xf32>, vector<16xf32>, vector<16xf32>, vector<16xf32>, vector<16xf32>)  : i32 {
      %dma_wait3A = arith.constant 0 : i32
      %dma_wait3A_76 = arith.constant 0 : i32
      %dma_wait3A_77 = tpu.memref_slice %arg2[%dma_wait3A, %dma_wait3A_76] : memref<320000x128xf32, #tpu.memory_space<hbm>> -> memref<200x128xf32, #tpu.memory_space<hbm>>
      %dma_wait3A_78 = arith.constant 0 : i32
      %dma_wait3A_79 = arith.constant 0 : i32
      %dma_wait3A_80 = tpu.memref_slice %arg2[%dma_wait3A_78, %dma_wait3A_79] : memref<320000x128xf32, #tpu.memory_space<hbm>> -> memref<200x128xf32, #tpu.memory_space<hbm>>
      tpu.wait_dma2 semaphore(%arg7 : memref<!tpu.dma_semaphore, #tpu.memory_space<semaphore_mem>>) src(%dma_wait3A_80 : memref<200x128xf32, #tpu.memory_space<hbm>>) dst(%arg4 : memref<200x128xf32, #tpu.memory_space<vmem>>)
      %scan3A_81 = arith.constant 0 : i32
      %scan3A_82 = arith.constant 200 : i32
      %scan3A_83 = arith.addi %scan3A_81, %scan3A_82 : i32
      %scan3A_84 = arith.constant 2 : i32
      %scan3A_85:8 = scf.for %scan3A_106 = %scan3A_81 to %scan3A_83 step %scan3A_84 iter_args(%scan3A_107 = %scan3A_68, %scan3A_108 = %scan3A_69, %scan3A_109 = %scan3A_70, %scan3A_110 = %scan3A_71, %scan3A_111 = %scan3A_72, %scan3A_112 = %scan3A_73, %scan3A_113 = %scan3A_74, %scan3A_114 = %scan3A_75) -> (vector<16xf32>, vector<16xf32>, vector<16xf32>, vector<16xf32>, vector<16xf32>, vector<16xf32>, vector<16xf32>, vector<16xf32>)  : i32 {
        %get3A = arith.index_cast %scan3A_106 : i32 to index
        %get3A_115 = arith.constant 0 : index
        %get3A_116 = tpu.vector_load %arg4[%get3A, %get3A_115] {strides = array<i32>} : memref<200x128xf32, #tpu.memory_space<vmem>>, vector<1x16xf32>,
        %get3A_117 = vector.shape_cast %get3A_116 : vector<1x16xf32> to vector<16xf32>
        %add3A_118 = arith.addf %scan3A_107, %get3A_117 : vector<16xf32>
        %get3A_119 = arith.index_cast %scan3A_106 : i32 to index
        %get3A_120 = arith.constant 16 : index
        %get3A_121 = tpu.vector_load %arg4[%get3A_119, %get3A_120] {strides = array<i32>} : memref<200x128xf32, #tpu.memory_space<vmem>>, vector<1x16xf32>,
        %get3A_122 = vector.shape_cast %get3A_121 : vector<1x16xf32> to vector<16xf32>
        %add3A_123 = arith.addf %scan3A_108, %get3A_122 : vector<16xf32>
        %get3A_124 = arith.index_cast %scan3A_106 : i32 to index
        %get3A_125 = arith.constant 32 : index
        %get3A_126 = tpu.vector_load %arg4[%get3A_124, %get3A_125] {strides = array<i32>} : memref<200x128xf32, #tpu.memory_space<vmem>>, vector<1x16xf32>,
        %get3A_127 = vector.shape_cast %get3A_126 : vector<1x16xf32> to vector<16xf32>
        %add3A_128 = arith.addf %scan3A_109, %get3A_127 : vector<16xf32>
        %get3A_129 = arith.index_cast %scan3A_106 : i32 to index
        %get3A_130 = arith.constant 48 : index
        %get3A_131 = tpu.vector_load %arg4[%get3A_129, %get3A_130] {strides = array<i32>} : memref<200x128xf32, #tpu.memory_space<vmem>>, vector<1x16xf32>,
        %get3A_132 = vector.shape_cast %get3A_131 : vector<1x16xf32> to vector<16xf32>
        %add3A_133 = arith.addf %scan3A_110, %get3A_132 : vector<16xf32>
        %get3A_134 = arith.index_cast %scan3A_106 : i32 to index
        %get3A_135 = arith.constant 64 : index
        %get3A_136 = tpu.vector_load %arg4[%get3A_134, %get3A_135] {strides = array<i32>} : memref<200x128xf32, #tpu.memory_space<vmem>>, vector<1x16xf32>,
        %get3A_137 = vector.shape_cast %get3A_136 : vector<1x16xf32> to vector<16xf32>
        %add3A_138 = arith.addf %scan3A_111, %get3A_137 : vector<16xf32>
        %get3A_139 = arith.index_cast %scan3A_106 : i32 to index
        %get3A_140 = arith.constant 80 : index
        %get3A_141 = tpu.vector_load %arg4[%get3A_139, %get3A_140] {strides = array<i32>} : memref<200x128xf32, #tpu.memory_space<vmem>>, vector<1x16xf32>,
        %get3A_142 = vector.shape_cast %get3A_141 : vector<1x16xf32> to vector<16xf32>
        %add3A_143 = arith.addf %scan3A_112, %get3A_142 : vector<16xf32>
        %get3A_144 = arith.index_cast %scan3A_106 : i32 to index
        %get3A_145 = arith.constant 96 : index
        %get3A_146 = tpu.vector_load %arg4[%get3A_144, %get3A_145] {strides = array<i32>} : memref<200x128xf32, #tpu.memory_space<vmem>>, vector<1x16xf32>,
        %get3A_147 = vector.shape_cast %get3A_146 : vector<1x16xf32> to vector<16xf32>
        %add3A_148 = arith.addf %scan3A_113, %get3A_147 : vector<16xf32>
        %get3A_149 = arith.index_cast %scan3A_106 : i32 to index
        %get3A_150 = arith.constant 112 : index
        %get3A_151 = tpu.vector_load %arg4[%get3A_149, %get3A_150] {strides = array<i32>} : memref<200x128xf32, #tpu.memory_space<vmem>>, vector<1x16xf32>,
        %get3A_152 = vector.shape_cast %get3A_151 : vector<1x16xf32> to vector<16xf32>
        %add3A_153 = arith.addf %scan3A_114, %get3A_152 : vector<16xf32>
        %scan3A_154 = arith.constant 1 : i32
        %scan3A_155 = arith.addi %scan3A_106, %scan3A_154 : i32
        %get3A_156 = arith.index_cast %scan3A_155 : i32 to index
        %get3A_157 = arith.constant 0 : index
        %get3A_158 = tpu.vector_load %arg4[%get3A_156, %get3A_157] {strides = array<i32>} : memref<200x128xf32, #tpu.memory_space<vmem>>, vector<1x16xf32>,
        %get3A_159 = vector.shape_cast %get3A_158 : vector<1x16xf32> to vector<16xf32>
        %add3A_160 = arith.addf %add3A_118, %get3A_159 : vector<16xf32>
        %get3A_161 = arith.index_cast %scan3A_155 : i32 to index
        %get3A_162 = arith.constant 16 : index
        %get3A_163 = tpu.vector_load %arg4[%get3A_161, %get3A_162] {strides = array<i32>} : memref<200x128xf32, #tpu.memory_space<vmem>>, vector<1x16xf32>,
        %get3A_164 = vector.shape_cast %get3A_163 : vector<1x16xf32> to vector<16xf32>
        %add3A_165 = arith.addf %add3A_123, %get3A_164 : vector<16xf32>
        %get3A_166 = arith.index_cast %scan3A_155 : i32 to index
        %get3A_167 = arith.constant 32 : index
        %get3A_168 = tpu.vector_load %arg4[%get3A_166, %get3A_167] {strides = array<i32>} : memref<200x128xf32, #tpu.memory_space<vmem>>, vector<1x16xf32>,
        %get3A_169 = vector.shape_cast %get3A_168 : vector<1x16xf32> to vector<16xf32>
        %add3A_170 = arith.addf %add3A_128, %get3A_169 : vector<16xf32>
        %get3A_171 = arith.index_cast %scan3A_155 : i32 to index
        %get3A_172 = arith.constant 48 : index
        %get3A_173 = tpu.vector_load %arg4[%get3A_171, %get3A_172] {strides = array<i32>} : memref<200x128xf32, #tpu.memory_space<vmem>>, vector<1x16xf32>,
        %get3A_174 = vector.shape_cast %get3A_173 : vector<1x16xf32> to vector<16xf32>
        %add3A_175 = arith.addf %add3A_133, %get3A_174 : vector<16xf32>
        %get3A_176 = arith.index_cast %scan3A_155 : i32 to index
        %get3A_177 = arith.constant 64 : index
        %get3A_178 = tpu.vector_load %arg4[%get3A_176, %get3A_177] {strides = array<i32>} : memref<200x128xf32, #tpu.memory_space<vmem>>, vector<1x16xf32>,
        %get3A_179 = vector.shape_cast %get3A_178 : vector<1x16xf32> to vector<16xf32>
        %add3A_180 = arith.addf %add3A_138, %get3A_179 : vector<16xf32>
        %get3A_181 = arith.index_cast %scan3A_155 : i32 to index
        %get3A_182 = arith.constant 80 : index
        %get3A_183 = tpu.vector_load %arg4[%get3A_181, %get3A_182] {strides = array<i32>} : memref<200x128xf32, #tpu.memory_space<vmem>>, vector<1x16xf32>,
        %get3A_184 = vector.shape_cast %get3A_183 : vector<1x16xf32> to vector<16xf32>
        %add3A_185 = arith.addf %add3A_143, %get3A_184 : vector<16xf32>
        %get3A_186 = arith.index_cast %scan3A_155 : i32 to index
        %get3A_187 = arith.constant 96 : index
        %get3A_188 = tpu.vector_load %arg4[%get3A_186, %get3A_187] {strides = array<i32>} : memref<200x128xf32, #tpu.memory_space<vmem>>, vector<1x16xf32>,
        %get3A_189 = vector.shape_cast %get3A_188 : vector<1x16xf32> to vector<16xf32>
        %add3A_190 = arith.addf %add3A_148, %get3A_189 : vector<16xf32>
        %get3A_191 = arith.index_cast %scan3A_155 : i32 to index
        %get3A_192 = arith.constant 112 : index
        %get3A_193 = tpu.vector_load %arg4[%get3A_191, %get3A_192] {strides = array<i32>} : memref<200x128xf32, #tpu.memory_space<vmem>>, vector<1x16xf32>,
        %get3A_194 = vector.shape_cast %get3A_193 : vector<1x16xf32> to vector<16xf32>
        %add3A_195 = arith.addf %add3A_153, %get3A_194 : vector<16xf32>
        scf.yield %add3A_160, %add3A_165, %add3A_170, %add3A_175, %add3A_180, %add3A_185, %add3A_190, %add3A_195 : vector<16xf32>, vector<16xf32>, vector<16xf32>, vector<16xf32>, vector<16xf32>, vector<16xf32>, vector<16xf32>, vector<16xf32>
      }
      %scan3A_86 = arith.constant 200 : i32
      %lt3A = arith.constant 7 : i32
      %lt3A_87 = arith.cmpi slt, %scan3A_67, %lt3A : i32
      %convert_element_type3A = arith.extui %lt3A_87 : i1 to i32
      %cond3A = arith.constant 0 : i32
      %cond3A_88 = arith.cmpi ne, %convert_element_type3A, %cond3A : i32
      scf.if %cond3A_88 {
        %mul3A_106 = arith.constant 2 : i32
        %mul3A_107 = arith.muli %mul3A_106, %scan3A_67 : i32
        %add3A_108 = arith.constant 2 : i32
        %add3A_109 = arith.addi %mul3A_107, %add3A_108 : i32
        %mul3A_110 = arith.constant 200 : i32
        %mul3A_111 = arith.muli %add3A_109, %mul3A_110 : i32
        %add3A_112 = arith.addi %mul3A_2, %mul3A_111 : i32
        %dma_start3A_113 = arith.constant 0 : i32
        %dma_start3A_114 = tpu.memref_slice %arg2[%add3A_112, %dma_start3A_113] : memref<320000x128xf32, #tpu.memory_space<hbm>> -> memref<200x128xf32, #tpu.memory_space<hbm>>
        %dma_start3A_115 = arith.constant 0 : i32
        %dma_start3A_116 = tpu.memref_slice %arg2[%add3A_112, %dma_start3A_115] : memref<320000x128xf32, #tpu.memory_space<hbm>> -> memref<200x128xf32, #tpu.memory_space<hbm>>
        tpu.enqueue_dma source(%dma_start3A_116 : memref<200x128xf32, #tpu.memory_space<hbm>>) target(%arg4 : memref<200x128xf32, #tpu.memory_space<vmem>>) target_semaphore(%arg7 : memref<!tpu.dma_semaphore, #tpu.memory_space<semaphore_mem>>)
      } else {
      }
      %dma_wait3A_89 = arith.constant 0 : i32
      %dma_wait3A_90 = arith.constant 0 : i32
      %dma_wait3A_91 = tpu.memref_slice %arg2[%dma_wait3A_89, %dma_wait3A_90] : memref<320000x128xf32, #tpu.memory_space<hbm>> -> memref<200x128xf32, #tpu.memory_space<hbm>>
      %dma_wait3A_92 = arith.constant 0 : i32
      %dma_wait3A_93 = arith.constant 0 : i32
      %dma_wait3A_94 = tpu.memref_slice %arg2[%dma_wait3A_92, %dma_wait3A_93] : memref<320000x128xf32, #tpu.memory_space<hbm>> -> memref<200x128xf32, #tpu.memory_space<hbm>>
      tpu.wait_dma2 semaphore(%arg8 : memref<!tpu.dma_semaphore, #tpu.memory_space<semaphore_mem>>) src(%dma_wait3A_94 : memref<200x128xf32, #tpu.memory_space<hbm>>) dst(%arg5 : memref<200x128xf32, #tpu.memory_space<vmem>>)
      %scan3A_95 = arith.constant 0 : i32
      %scan3A_96 = arith.constant 200 : i32
      %scan3A_97 = arith.addi %scan3A_95, %scan3A_96 : i32
      %scan3A_98 = arith.constant 2 : i32
      %scan3A_99:8 = scf.for %scan3A_106 = %scan3A_95 to %scan3A_97 step %scan3A_98 iter_args(%scan3A_107 = %scan3A_85#0, %scan3A_108 = %scan3A_85#1, %scan3A_109 = %scan3A_85#2, %scan3A_110 = %scan3A_85#3, %scan3A_111 = %scan3A_85#4, %scan3A_112 = %scan3A_85#5, %scan3A_113 = %scan3A_85#6, %scan3A_114 = %scan3A_85#7) -> (vector<16xf32>, vector<16xf32>, vector<16xf32>, vector<16xf32>, vector<16xf32>, vector<16xf32>, vector<16xf32>, vector<16xf32>)  : i32 {
        %get3A = arith.index_cast %scan3A_106 : i32 to index
        %get3A_115 = arith.constant 0 : index
        %get3A_116 = tpu.vector_load %arg5[%get3A, %get3A_115] {strides = array<i32>} : memref<200x128xf32, #tpu.memory_space<vmem>>, vector<1x16xf32>,
        %get3A_117 = vector.shape_cast %get3A_116 : vector<1x16xf32> to vector<16xf32>
        %add3A_118 = arith.addf %scan3A_107, %get3A_117 : vector<16xf32>
        %get3A_119 = arith.index_cast %scan3A_106 : i32 to index
        %get3A_120 = arith.constant 16 : index
        %get3A_121 = tpu.vector_load %arg5[%get3A_119, %get3A_120] {strides = array<i32>} : memref<200x128xf32, #tpu.memory_space<vmem>>, vector<1x16xf32>,
        %get3A_122 = vector.shape_cast %get3A_121 : vector<1x16xf32> to vector<16xf32>
        %add3A_123 = arith.addf %scan3A_108, %get3A_122 : vector<16xf32>
        %get3A_124 = arith.index_cast %scan3A_106 : i32 to index
        %get3A_125 = arith.constant 32 : index
        %get3A_126 = tpu.vector_load %arg5[%get3A_124, %get3A_125] {strides = array<i32>} : memref<200x128xf32, #tpu.memory_space<vmem>>, vector<1x16xf32>,
        %get3A_127 = vector.shape_cast %get3A_126 : vector<1x16xf32> to vector<16xf32>
        %add3A_128 = arith.addf %scan3A_109, %get3A_127 : vector<16xf32>
        %get3A_129 = arith.index_cast %scan3A_106 : i32 to index
        %get3A_130 = arith.constant 48 : index
        %get3A_131 = tpu.vector_load %arg5[%get3A_129, %get3A_130] {strides = array<i32>} : memref<200x128xf32, #tpu.memory_space<vmem>>, vector<1x16xf32>,
        %get3A_132 = vector.shape_cast %get3A_131 : vector<1x16xf32> to vector<16xf32>
        %add3A_133 = arith.addf %scan3A_110, %get3A_132 : vector<16xf32>
        %get3A_134 = arith.index_cast %scan3A_106 : i32 to index
        %get3A_135 = arith.constant 64 : index
        %get3A_136 = tpu.vector_load %arg5[%get3A_134, %get3A_135] {strides = array<i32>} : memref<200x128xf32, #tpu.memory_space<vmem>>, vector<1x16xf32>,
        %get3A_137 = vector.shape_cast %get3A_136 : vector<1x16xf32> to vector<16xf32>
        %add3A_138 = arith.addf %scan3A_111, %get3A_137 : vector<16xf32>
        %get3A_139 = arith.index_cast %scan3A_106 : i32 to index
        %get3A_140 = arith.constant 80 : index
        %get3A_141 = tpu.vector_load %arg5[%get3A_139, %get3A_140] {strides = array<i32>} : memref<200x128xf32, #tpu.memory_space<vmem>>, vector<1x16xf32>,
        %get3A_142 = vector.shape_cast %get3A_141 : vector<1x16xf32> to vector<16xf32>
        %add3A_143 = arith.addf %scan3A_112, %get3A_142 : vector<16xf32>
        %get3A_144 = arith.index_cast %scan3A_106 : i32 to index
        %get3A_145 = arith.constant 96 : index
        %get3A_146 = tpu.vector_load %arg5[%get3A_144, %get3A_145] {strides = array<i32>} : memref<200x128xf32, #tpu.memory_space<vmem>>, vector<1x16xf32>,
        %get3A_147 = vector.shape_cast %get3A_146 : vector<1x16xf32> to vector<16xf32>
        %add3A_148 = arith.addf %scan3A_113, %get3A_147 : vector<16xf32>
        %get3A_149 = arith.index_cast %scan3A_106 : i32 to index
        %get3A_150 = arith.constant 112 : index
        %get3A_151 = tpu.vector_load %arg5[%get3A_149, %get3A_150] {strides = array<i32>} : memref<200x128xf32, #tpu.memory_space<vmem>>, vector<1x16xf32>,
        %get3A_152 = vector.shape_cast %get3A_151 : vector<1x16xf32> to vector<16xf32>
        %add3A_153 = arith.addf %scan3A_114, %get3A_152 : vector<16xf32>
        %scan3A_154 = arith.constant 1 : i32
        %scan3A_155 = arith.addi %scan3A_106, %scan3A_154 : i32
        %get3A_156 = arith.index_cast %scan3A_155 : i32 to index
        %get3A_157 = arith.constant 0 : index
        %get3A_158 = tpu.vector_load %arg5[%get3A_156, %get3A_157] {strides = array<i32>} : memref<200x128xf32, #tpu.memory_space<vmem>>, vector<1x16xf32>,
        %get3A_159 = vector.shape_cast %get3A_158 : vector<1x16xf32> to vector<16xf32>
        %add3A_160 = arith.addf %add3A_118, %get3A_159 : vector<16xf32>
        %get3A_161 = arith.index_cast %scan3A_155 : i32 to index
        %get3A_162 = arith.constant 16 : index
        %get3A_163 = tpu.vector_load %arg5[%get3A_161, %get3A_162] {strides = array<i32>} : memref<200x128xf32, #tpu.memory_space<vmem>>, vector<1x16xf32>,
        %get3A_164 = vector.shape_cast %get3A_163 : vector<1x16xf32> to vector<16xf32>
        %add3A_165 = arith.addf %add3A_123, %get3A_164 : vector<16xf32>
        %get3A_166 = arith.index_cast %scan3A_155 : i32 to index
        %get3A_167 = arith.constant 32 : index
        %get3A_168 = tpu.vector_load %arg5[%get3A_166, %get3A_167] {strides = array<i32>} : memref<200x128xf32, #tpu.memory_space<vmem>>, vector<1x16xf32>,
        %get3A_169 = vector.shape_cast %get3A_168 : vector<1x16xf32> to vector<16xf32>
        %add3A_170 = arith.addf %add3A_128, %get3A_169 : vector<16xf32>
        %get3A_171 = arith.index_cast %scan3A_155 : i32 to index
        %get3A_172 = arith.constant 48 : index
        %get3A_173 = tpu.vector_load %arg5[%get3A_171, %get3A_172] {strides = array<i32>} : memref<200x128xf32, #tpu.memory_space<vmem>>, vector<1x16xf32>,
        %get3A_174 = vector.shape_cast %get3A_173 : vector<1x16xf32> to vector<16xf32>
        %add3A_175 = arith.addf %add3A_133, %get3A_174 : vector<16xf32>
        %get3A_176 = arith.index_cast %scan3A_155 : i32 to index
        %get3A_177 = arith.constant 64 : index
        %get3A_178 = tpu.vector_load %arg5[%get3A_176, %get3A_177] {strides = array<i32>} : memref<200x128xf32, #tpu.memory_space<vmem>>, vector<1x16xf32>,
        %get3A_179 = vector.shape_cast %get3A_178 : vector<1x16xf32> to vector<16xf32>
        %add3A_180 = arith.addf %add3A_138, %get3A_179 : vector<16xf32>
        %get3A_181 = arith.index_cast %scan3A_155 : i32 to index
        %get3A_182 = arith.constant 80 : index
        %get3A_183 = tpu.vector_load %arg5[%get3A_181, %get3A_182] {strides = array<i32>} : memref<200x128xf32, #tpu.memory_space<vmem>>, vector<1x16xf32>,
        %get3A_184 = vector.shape_cast %get3A_183 : vector<1x16xf32> to vector<16xf32>
        %add3A_185 = arith.addf %add3A_143, %get3A_184 : vector<16xf32>
        %get3A_186 = arith.index_cast %scan3A_155 : i32 to index
        %get3A_187 = arith.constant 96 : index
        %get3A_188 = tpu.vector_load %arg5[%get3A_186, %get3A_187] {strides = array<i32>} : memref<200x128xf32, #tpu.memory_space<vmem>>, vector<1x16xf32>,
        %get3A_189 = vector.shape_cast %get3A_188 : vector<1x16xf32> to vector<16xf32>
        %add3A_190 = arith.addf %add3A_148, %get3A_189 : vector<16xf32>
        %get3A_191 = arith.index_cast %scan3A_155 : i32 to index
        %get3A_192 = arith.constant 112 : index
        %get3A_193 = tpu.vector_load %arg5[%get3A_191, %get3A_192] {strides = array<i32>} : memref<200x128xf32, #tpu.memory_space<vmem>>, vector<1x16xf32>,
        %get3A_194 = vector.shape_cast %get3A_193 : vector<1x16xf32> to vector<16xf32>
        %add3A_195 = arith.addf %add3A_153, %get3A_194 : vector<16xf32>
        scf.yield %add3A_160, %add3A_165, %add3A_170, %add3A_175, %add3A_180, %add3A_185, %add3A_190, %add3A_195 : vector<16xf32>, vector<16xf32>, vector<16xf32>, vector<16xf32>, vector<16xf32>, vector<16xf32>, vector<16xf32>, vector<16xf32>
      }
      %scan3A_100 = arith.constant 200 : i32
      %lt3A_101 = arith.constant 7 : i32
      %lt3A_102 = arith.cmpi slt, %scan3A_67, %lt3A_101 : i32
      %convert_element_type3A_103 = arith.extui %lt3A_102 : i1 to i32
      %cond3A_104 = arith.constant 0 : i32
      %cond3A_105 = arith.cmpi ne, %convert_element_type3A_103, %cond3A_104 : i32
      scf.if %cond3A_105 {
        %mul3A_106 = arith.constant 2 : i32
        %mul3A_107 = arith.muli %mul3A_106, %scan3A_67 : i32
        %add3A_108 = arith.constant 3 : i32
        %add3A_109 = arith.addi %mul3A_107, %add3A_108 : i32
        %mul3A_110 = arith.constant 200 : i32
        %mul3A_111 = arith.muli %add3A_109, %mul3A_110 : i32
        %add3A_112 = arith.addi %mul3A_2, %mul3A_111 : i32
        %dma_start3A_113 = arith.constant 0 : i32
        %dma_start3A_114 = tpu.memref_slice %arg2[%add3A_112, %dma_start3A_113] : memref<320000x128xf32, #tpu.memory_space<hbm>> -> memref<200x128xf32, #tpu.memory_space<hbm>>
        %dma_start3A_115 = arith.constant 0 : i32
        %dma_start3A_116 = tpu.memref_slice %arg2[%add3A_112, %dma_start3A_115] : memref<320000x128xf32, #tpu.memory_space<hbm>> -> memref<200x128xf32, #tpu.memory_space<hbm>>
        tpu.enqueue_dma source(%dma_start3A_116 : memref<200x128xf32, #tpu.memory_space<hbm>>) target(%arg5 : memref<200x128xf32, #tpu.memory_space<vmem>>) target_semaphore(%arg8 : memref<!tpu.dma_semaphore, #tpu.memory_space<semaphore_mem>>)
      } else {
      }
      scf.yield %scan3A_99#0, %scan3A_99#1, %scan3A_99#2, %scan3A_99#3, %scan3A_99#4, %scan3A_99#5, %scan3A_99#6, %scan3A_99#7 : vector<16xf32>, vector<16xf32>, vector<16xf32>, vector<16xf32>, vector<16xf32>, vector<16xf32>, vector<16xf32>, vector<16xf32>
    }
    %scan3A_33 = arith.constant 8 : i32
    %swap3A = arith.constant 0 : index
    %swap3A_34 = tpu.vector_load %arg6[%swap3A] {strides = array<i32>} : memref<128xf32, #tpu.memory_space<vmem>>, vector<16xf32>,
    %swap3A_35 = vector.shape_cast %swap3A_34 : vector<16xf32> to vector<16xf32>
    %swap3A_36 = vector.shape_cast %scan3A_32#0 : vector<16xf32> to vector<16xf32>
    tpu.vector_store %arg6[%swap3A], %swap3A_36 {strides = array<i32>} : memref<128xf32, #tpu.memory_space<vmem>>, vector<16xf32>,
    %swap3A_37 = arith.constant 16 : index
    %swap3A_38 = tpu.vector_load %arg6[%swap3A_37] {strides = array<i32>} : memref<128xf32, #tpu.memory_space<vmem>>, vector<16xf32>,
    %swap3A_39 = vector.shape_cast %swap3A_38 : vector<16xf32> to vector<16xf32>
    %swap3A_40 = vector.shape_cast %scan3A_32#1 : vector<16xf32> to vector<16xf32>
    tpu.vector_store %arg6[%swap3A_37], %swap3A_40 {strides = array<i32>} : memref<128xf32, #tpu.memory_space<vmem>>, vector<16xf32>,
    %swap3A_41 = arith.constant 32 : index
    %swap3A_42 = tpu.vector_load %arg6[%swap3A_41] {strides = array<i32>} : memref<128xf32, #tpu.memory_space<vmem>>, vector<16xf32>,
    %swap3A_43 = vector.shape_cast %swap3A_42 : vector<16xf32> to vector<16xf32>
    %swap3A_44 = vector.shape_cast %scan3A_32#2 : vector<16xf32> to vector<16xf32>
    tpu.vector_store %arg6[%swap3A_41], %swap3A_44 {strides = array<i32>} : memref<128xf32, #tpu.memory_space<vmem>>, vector<16xf32>,
    %swap3A_45 = arith.constant 48 : index
    %swap3A_46 = tpu.vector_load %arg6[%swap3A_45] {strides = array<i32>} : memref<128xf32, #tpu.memory_space<vmem>>, vector<16xf32>,
    %swap3A_47 = vector.shape_cast %swap3A_46 : vector<16xf32> to vector<16xf32>
    %swap3A_48 = vector.shape_cast %scan3A_32#3 : vector<16xf32> to vector<16xf32>
    tpu.vector_store %arg6[%swap3A_45], %swap3A_48 {strides = array<i32>} : memref<128xf32, #tpu.memory_space<vmem>>, vector<16xf32>,
    %swap3A_49 = arith.constant 64 : index
    %swap3A_50 = tpu.vector_load %arg6[%swap3A_49] {strides = array<i32>} : memref<128xf32, #tpu.memory_space<vmem>>, vector<16xf32>,
    %swap3A_51 = vector.shape_cast %swap3A_50 : vector<16xf32> to vector<16xf32>
    %swap3A_52 = vector.shape_cast %scan3A_32#4 : vector<16xf32> to vector<16xf32>
    tpu.vector_store %arg6[%swap3A_49], %swap3A_52 {strides = array<i32>} : memref<128xf32, #tpu.memory_space<vmem>>, vector<16xf32>,
    %swap3A_53 = arith.constant 80 : index
    %swap3A_54 = tpu.vector_load %arg6[%swap3A_53] {strides = array<i32>} : memref<128xf32, #tpu.memory_space<vmem>>, vector<16xf32>,
    %swap3A_55 = vector.shape_cast %swap3A_54 : vector<16xf32> to vector<16xf32>
    %swap3A_56 = vector.shape_cast %scan3A_32#5 : vector<16xf32> to vector<16xf32>
    tpu.vector_store %arg6[%swap3A_53], %swap3A_56 {strides = array<i32>} : memref<128xf32, #tpu.memory_space<vmem>>, vector<16xf32>,
    %swap3A_57 = arith.constant 96 : index
    %swap3A_58 = tpu.vector_load %arg6[%swap3A_57] {strides = array<i32>} : memref<128xf32, #tpu.memory_space<vmem>>, vector<16xf32>,
    %swap3A_59 = vector.shape_cast %swap3A_58 : vector<16xf32> to vector<16xf32>
    %swap3A_60 = vector.shape_cast %scan3A_32#6 : vector<16xf32> to vector<16xf32>
    tpu.vector_store %arg6[%swap3A_57], %swap3A_60 {strides = array<i32>} : memref<128xf32, #tpu.memory_space<vmem>>, vector<16xf32>,
    %swap3A_61 = arith.constant 112 : index
    %swap3A_62 = tpu.vector_load %arg6[%swap3A_61] {strides = array<i32>} : memref<128xf32, #tpu.memory_space<vmem>>, vector<16xf32>,
    %swap3A_63 = vector.shape_cast %swap3A_62 : vector<16xf32> to vector<16xf32>
    %swap3A_64 = vector.shape_cast %scan3A_32#7 : vector<16xf32> to vector<16xf32>
    tpu.vector_store %arg6[%swap3A_61], %swap3A_64 {strides = array<i32>} : memref<128xf32, #tpu.memory_space<vmem>>, vector<16xf32>,
    %mul3A_65 = arith.constant 128 : i32
    %mul3A_66 = arith.muli %add3A, %mul3A_65 : i32
    "tpu.region"() ({
      %run_scoped3A = tpu.sem_alloc : memref<!tpu.dma_semaphore, #tpu.memory_space<semaphore_mem>>
      %dma_start3A_67 = tpu.memref_slice %arg3[%mul3A_66] : memref<4096xf32, #tpu.memory_space<hbm>> -> memref<128xf32, #tpu.memory_space<hbm>>
      %dma_start3A_68 = tpu.memref_slice %arg3[%mul3A_66] : memref<4096xf32, #tpu.memory_space<hbm>> -> memref<128xf32, #tpu.memory_space<hbm>>
      tpu.enqueue_dma source(%arg6 : memref<128xf32, #tpu.memory_space<vmem>>) target(%dma_start3A_68 : memref<128xf32, #tpu.memory_space<hbm>>) target_semaphore(%run_scoped3A : memref<!tpu.dma_semaphore, #tpu.memory_space<semaphore_mem>>)
      %dma_wait3A = tpu.memref_slice %arg3[%mul3A_66] : memref<4096xf32, #tpu.memory_space<hbm>> -> memref<128xf32, #tpu.memory_space<hbm>>
      %dma_wait3A_69 = tpu.memref_slice %arg3[%mul3A_66] : memref<4096xf32, #tpu.memory_space<hbm>> -> memref<128xf32, #tpu.memory_space<hbm>>
      tpu.wait_dma2 semaphore(%run_scoped3A : memref<!tpu.dma_semaphore, #tpu.memory_space<semaphore_mem>>) src(%arg6 : memref<128xf32, #tpu.memory_space<vmem>>) dst(%dma_wait3A_69 : memref<128xf32, #tpu.memory_space<hbm>>)
      tpu.yield
    }) : () -> ()
    return
  }
}

module attributes {stable_mosaic.version = 14 : i64} {
  func.func @_tc_finish_kernel(%arg0: memref<32x128xf32, #tpu.memory_space<vmem>>, %arg1: memref<8x128xf32, #tpu.memory_space<vmem>>, %arg2: memref<1x128xf32, #tpu.memory_space<vmem>>, %arg3: memref<128x128xf32, #tpu.memory_space<vmem>>, %arg4: memref<1x128xf32, #tpu.memory_space<vmem>>, %arg5: memref<1x128xf32, #tpu.memory_space<vmem>>) attributes {dimension_semantics = [], scalar_prefetch = 0 : i64, scratch_operands = 0 : i64, tpu.core_type = #tpu.core_type<tc>} {
    %get3A = arith.constant 0 : index
    %get3A_0 = arith.constant 0 : index
    %get3A_1 = vector.load %arg0[%get3A, %get3A_0] : memref<32x128xf32, #tpu.memory_space<vmem>>, vector<32x128xf32>
    %reduce_sum3A = arith.constant dense<0.000000e+00> : vector<128xf32>
    %reduce_sum3A_2 = vector.multi_reduction <add>, %get3A_1, %reduce_sum3A [0] : vector<32x128xf32> to vector<128xf32>
    %broadcast_in_dim3A = vector.shape_cast %reduce_sum3A_2 : vector<128xf32> to vector<1x128xf32>
    %get3A_3 = arith.constant 0 : index
    %get3A_4 = arith.constant 0 : index
    %get3A_5 = vector.load %arg1[%get3A_3, %get3A_4] : memref<8x128xf32, #tpu.memory_space<vmem>>, vector<8x128xf32>
    %reduce_sum3A_6 = arith.constant dense<0.000000e+00> : vector<128xf32>
    %reduce_sum3A_7 = vector.multi_reduction <add>, %get3A_5, %reduce_sum3A_6 [0] : vector<8x128xf32> to vector<128xf32>
    %broadcast_in_dim3A_8 = vector.shape_cast %reduce_sum3A_7 : vector<128xf32> to vector<1x128xf32>
    %add3A = arith.addf %broadcast_in_dim3A, %broadcast_in_dim3A_8 : vector<1x128xf32>
    %get3A_9 = arith.constant 0 : index
    %get3A_10 = arith.constant 0 : index
    %get3A_11 = vector.load %arg2[%get3A_9, %get3A_10] : memref<1x128xf32, #tpu.memory_space<vmem>>, vector<1x128xf32>
    %add3A_12 = arith.addf %add3A, %get3A_11 : vector<1x128xf32>
    %get3A_13 = arith.constant 0 : index
    %get3A_14 = arith.constant 0 : index
    %get3A_15 = vector.load %arg3[%get3A_13, %get3A_14] : memref<128x128xf32, #tpu.memory_space<vmem>>, vector<128x128xf32>
    %dot_general3A = arith.constant dense<0.000000e+00> : vector<1x128xf32>
    %dot_general3A_16 = tpu.matmul %add3A_12, %get3A_15, %dot_general3A {dimension_numbers = #tpu.dot_dimension_numbers<[1], [1], [0], [0], [0, 0, 1, 0], [], []>, transpose_lhs_hint = false} : vector<1x128xf32>, vector<128x128xf32>, vector<1x128xf32> -> vector<1x128xf32>
    %get3A_17 = arith.constant 0 : index
    %get3A_18 = arith.constant 0 : index
    %get3A_19 = vector.load %arg4[%get3A_17, %get3A_18] : memref<1x128xf32, #tpu.memory_space<vmem>>, vector<1x128xf32>
    %add3A_20 = arith.addf %dot_general3A_16, %get3A_19 : vector<1x128xf32>
    %max3A = arith.constant 0.000000e+00 : f32
    %max3A_21 = vector.broadcast %max3A : f32 to vector<1x128xf32>
    %max3A_22 = arith.maximumf %add3A_20, %max3A_21 : vector<1x128xf32>
    %swap3A = arith.constant 0 : index
    %swap3A_23 = arith.constant 0 : index
    %swap3A_24 = vector.load %arg5[%swap3A, %swap3A_23] : memref<1x128xf32, #tpu.memory_space<vmem>>, vector<1x128xf32>
    tpu.vector_store %arg5[%swap3A, %swap3A_23], %max3A_22 {strides = array<i32>} : memref<1x128xf32, #tpu.memory_space<vmem>>, vector<1x128xf32>,
    return
  }
}

module attributes {stable_mosaic.version = 14 : i64} {
  func.func @_tc_reduce_kernel(%arg0: memref<320000x128xf32, #tpu.memory_space<any>>, %arg1: memref<8x128xf32, #tpu.memory_space<vmem>>, %arg2: memref<8x2720x128xf32, #tpu.memory_space<vmem>>, %arg3: memref<8x!tpu.dma_semaphore, #tpu.memory_space<semaphore_mem>>) attributes {dimension_semantics = [], scalar_prefetch = 0 : i64, scratch_operands = 2 : i64, tpu.core_type = #tpu.core_type<tc>} {
    %dma_start3A = arith.constant 0 : i32
    %dma_start3A_0 = arith.constant 0 : i32
    %dma_start3A_1 = tpu.memref_slice %arg3[%dma_start3A_0] : memref<8x!tpu.dma_semaphore, #tpu.memory_space<semaphore_mem>> -> memref<1x!tpu.dma_semaphore, #tpu.memory_space<semaphore_mem>>
    %dma_start3A_2 = tpu.memref_squeeze %dma_start3A_1 : memref<1x!tpu.dma_semaphore, #tpu.memory_space<semaphore_mem>> -> memref<!tpu.dma_semaphore, #tpu.memory_space<semaphore_mem>>
    %dma_start3A_3 = arith.constant 0 : i32
    %dma_start3A_4 = arith.constant 0 : i32
    %dma_start3A_5 = tpu.memref_slice %arg2[%dma_start3A, %dma_start3A_3, %dma_start3A_4] : memref<8x2720x128xf32, #tpu.memory_space<vmem>> -> memref<1x2720x128xf32, #tpu.memory_space<vmem>>
    %dma_start3A_6 = tpu.memref_squeeze %dma_start3A_5 : memref<1x2720x128xf32, #tpu.memory_space<vmem>> -> memref<2720x128xf32, #tpu.memory_space<vmem>>
    %dma_start3A_7 = arith.constant 102400 : i32
    %dma_start3A_8 = arith.constant 0 : i32
    %dma_start3A_9 = tpu.memref_slice %arg0[%dma_start3A_7, %dma_start3A_8] : memref<320000x128xf32, #tpu.memory_space<any>> -> memref<2720x128xf32, #tpu.memory_space<any>>
    tpu.enqueue_dma source(%dma_start3A_9 : memref<2720x128xf32, #tpu.memory_space<any>>) target(%dma_start3A_6 : memref<2720x128xf32, #tpu.memory_space<vmem>>) target_semaphore(%dma_start3A_2 : memref<!tpu.dma_semaphore, #tpu.memory_space<semaphore_mem>>)
    %dma_start3A_10 = arith.constant 1 : i32
    %dma_start3A_11 = arith.constant 1 : i32
    %dma_start3A_12 = tpu.memref_slice %arg3[%dma_start3A_11] : memref<8x!tpu.dma_semaphore, #tpu.memory_space<semaphore_mem>> -> memref<1x!tpu.dma_semaphore, #tpu.memory_space<semaphore_mem>>
    %dma_start3A_13 = tpu.memref_squeeze %dma_start3A_12 : memref<1x!tpu.dma_semaphore, #tpu.memory_space<semaphore_mem>> -> memref<!tpu.dma_semaphore, #tpu.memory_space<semaphore_mem>>
    %dma_start3A_14 = arith.constant 0 : i32
    %dma_start3A_15 = arith.constant 0 : i32
    %dma_start3A_16 = tpu.memref_slice %arg2[%dma_start3A_10, %dma_start3A_14, %dma_start3A_15] : memref<8x2720x128xf32, #tpu.memory_space<vmem>> -> memref<1x2720x128xf32, #tpu.memory_space<vmem>>
    %dma_start3A_17 = tpu.memref_squeeze %dma_start3A_16 : memref<1x2720x128xf32, #tpu.memory_space<vmem>> -> memref<2720x128xf32, #tpu.memory_space<vmem>>
    %dma_start3A_18 = arith.constant 105120 : i32
    %dma_start3A_19 = arith.constant 0 : i32
    %dma_start3A_20 = tpu.memref_slice %arg0[%dma_start3A_18, %dma_start3A_19] : memref<320000x128xf32, #tpu.memory_space<any>> -> memref<2720x128xf32, #tpu.memory_space<any>>
    tpu.enqueue_dma source(%dma_start3A_20 : memref<2720x128xf32, #tpu.memory_space<any>>) target(%dma_start3A_17 : memref<2720x128xf32, #tpu.memory_space<vmem>>) target_semaphore(%dma_start3A_13 : memref<!tpu.dma_semaphore, #tpu.memory_space<semaphore_mem>>)
    %dma_start3A_21 = arith.constant 2 : i32
    %dma_start3A_22 = arith.constant 2 : i32
    %dma_start3A_23 = tpu.memref_slice %arg3[%dma_start3A_22] : memref<8x!tpu.dma_semaphore, #tpu.memory_space<semaphore_mem>> -> memref<1x!tpu.dma_semaphore, #tpu.memory_space<semaphore_mem>>
    %dma_start3A_24 = tpu.memref_squeeze %dma_start3A_23 : memref<1x!tpu.dma_semaphore, #tpu.memory_space<semaphore_mem>> -> memref<!tpu.dma_semaphore, #tpu.memory_space<semaphore_mem>>
    %dma_start3A_25 = arith.constant 0 : i32
    %dma_start3A_26 = arith.constant 0 : i32
    %dma_start3A_27 = tpu.memref_slice %arg2[%dma_start3A_21, %dma_start3A_25, %dma_start3A_26] : memref<8x2720x128xf32, #tpu.memory_space<vmem>> -> memref<1x2720x128xf32, #tpu.memory_space<vmem>>
    %dma_start3A_28 = tpu.memref_squeeze %dma_start3A_27 : memref<1x2720x128xf32, #tpu.memory_space<vmem>> -> memref<2720x128xf32, #tpu.memory_space<vmem>>
    %dma_start3A_29 = arith.constant 107840 : i32
    %dma_start3A_30 = arith.constant 0 : i32
    %dma_start3A_31 = tpu.memref_slice %arg0[%dma_start3A_29, %dma_start3A_30] : memref<320000x128xf32, #tpu.memory_space<any>> -> memref<2720x128xf32, #tpu.memory_space<any>>
    tpu.enqueue_dma source(%dma_start3A_31 : memref<2720x128xf32, #tpu.memory_space<any>>) target(%dma_start3A_28 : memref<2720x128xf32, #tpu.memory_space<vmem>>) target_semaphore(%dma_start3A_24 : memref<!tpu.dma_semaphore, #tpu.memory_space<semaphore_mem>>)
    %dma_start3A_32 = arith.constant 3 : i32
    %dma_start3A_33 = arith.constant 3 : i32
    %dma_start3A_34 = tpu.memref_slice %arg3[%dma_start3A_33] : memref<8x!tpu.dma_semaphore, #tpu.memory_space<semaphore_mem>> -> memref<1x!tpu.dma_semaphore, #tpu.memory_space<semaphore_mem>>
    %dma_start3A_35 = tpu.memref_squeeze %dma_start3A_34 : memref<1x!tpu.dma_semaphore, #tpu.memory_space<semaphore_mem>> -> memref<!tpu.dma_semaphore, #tpu.memory_space<semaphore_mem>>
    %dma_start3A_36 = arith.constant 0 : i32
    %dma_start3A_37 = arith.constant 0 : i32
    %dma_start3A_38 = tpu.memref_slice %arg2[%dma_start3A_32, %dma_start3A_36, %dma_start3A_37] : memref<8x2720x128xf32, #tpu.memory_space<vmem>> -> memref<1x2720x128xf32, #tpu.memory_space<vmem>>
    %dma_start3A_39 = tpu.memref_squeeze %dma_start3A_38 : memref<1x2720x128xf32, #tpu.memory_space<vmem>> -> memref<2720x128xf32, #tpu.memory_space<vmem>>
    %dma_start3A_40 = arith.constant 110560 : i32
    %dma_start3A_41 = arith.constant 0 : i32
    %dma_start3A_42 = tpu.memref_slice %arg0[%dma_start3A_40, %dma_start3A_41] : memref<320000x128xf32, #tpu.memory_space<any>> -> memref<2720x128xf32, #tpu.memory_space<any>>
    tpu.enqueue_dma source(%dma_start3A_42 : memref<2720x128xf32, #tpu.memory_space<any>>) target(%dma_start3A_39 : memref<2720x128xf32, #tpu.memory_space<vmem>>) target_semaphore(%dma_start3A_35 : memref<!tpu.dma_semaphore, #tpu.memory_space<semaphore_mem>>)
    %dma_start3A_43 = arith.constant 4 : i32
    %dma_start3A_44 = arith.constant 4 : i32
    %dma_start3A_45 = tpu.memref_slice %arg3[%dma_start3A_44] : memref<8x!tpu.dma_semaphore, #tpu.memory_space<semaphore_mem>> -> memref<1x!tpu.dma_semaphore, #tpu.memory_space<semaphore_mem>>
    %dma_start3A_46 = tpu.memref_squeeze %dma_start3A_45 : memref<1x!tpu.dma_semaphore, #tpu.memory_space<semaphore_mem>> -> memref<!tpu.dma_semaphore, #tpu.memory_space<semaphore_mem>>
    %dma_start3A_47 = arith.constant 0 : i32
    %dma_start3A_48 = arith.constant 0 : i32
    %dma_start3A_49 = tpu.memref_slice %arg2[%dma_start3A_43, %dma_start3A_47, %dma_start3A_48] : memref<8x2720x128xf32, #tpu.memory_space<vmem>> -> memref<1x2720x128xf32, #tpu.memory_space<vmem>>
    %dma_start3A_50 = tpu.memref_squeeze %dma_start3A_49 : memref<1x2720x128xf32, #tpu.memory_space<vmem>> -> memref<2720x128xf32, #tpu.memory_space<vmem>>
    %dma_start3A_51 = arith.constant 113280 : i32
    %dma_start3A_52 = arith.constant 0 : i32
    %dma_start3A_53 = tpu.memref_slice %arg0[%dma_start3A_51, %dma_start3A_52] : memref<320000x128xf32, #tpu.memory_space<any>> -> memref<2720x128xf32, #tpu.memory_space<any>>
    tpu.enqueue_dma source(%dma_start3A_53 : memref<2720x128xf32, #tpu.memory_space<any>>) target(%dma_start3A_50 : memref<2720x128xf32, #tpu.memory_space<vmem>>) target_semaphore(%dma_start3A_46 : memref<!tpu.dma_semaphore, #tpu.memory_space<semaphore_mem>>)
    %dma_start3A_54 = arith.constant 5 : i32
    %dma_start3A_55 = arith.constant 5 : i32
    %dma_start3A_56 = tpu.memref_slice %arg3[%dma_start3A_55] : memref<8x!tpu.dma_semaphore, #tpu.memory_space<semaphore_mem>> -> memref<1x!tpu.dma_semaphore, #tpu.memory_space<semaphore_mem>>
    %dma_start3A_57 = tpu.memref_squeeze %dma_start3A_56 : memref<1x!tpu.dma_semaphore, #tpu.memory_space<semaphore_mem>> -> memref<!tpu.dma_semaphore, #tpu.memory_space<semaphore_mem>>
    %dma_start3A_58 = arith.constant 0 : i32
    %dma_start3A_59 = arith.constant 0 : i32
    %dma_start3A_60 = tpu.memref_slice %arg2[%dma_start3A_54, %dma_start3A_58, %dma_start3A_59] : memref<8x2720x128xf32, #tpu.memory_space<vmem>> -> memref<1x2720x128xf32, #tpu.memory_space<vmem>>
    %dma_start3A_61 = tpu.memref_squeeze %dma_start3A_60 : memref<1x2720x128xf32, #tpu.memory_space<vmem>> -> memref<2720x128xf32, #tpu.memory_space<vmem>>
    %dma_start3A_62 = arith.constant 116000 : i32
    %dma_start3A_63 = arith.constant 0 : i32
    %dma_start3A_64 = tpu.memref_slice %arg0[%dma_start3A_62, %dma_start3A_63] : memref<320000x128xf32, #tpu.memory_space<any>> -> memref<2720x128xf32, #tpu.memory_space<any>>
    tpu.enqueue_dma source(%dma_start3A_64 : memref<2720x128xf32, #tpu.memory_space<any>>) target(%dma_start3A_61 : memref<2720x128xf32, #tpu.memory_space<vmem>>) target_semaphore(%dma_start3A_57 : memref<!tpu.dma_semaphore, #tpu.memory_space<semaphore_mem>>)
    %dma_start3A_65 = arith.constant 6 : i32
    %dma_start3A_66 = arith.constant 6 : i32
    %dma_start3A_67 = tpu.memref_slice %arg3[%dma_start3A_66] : memref<8x!tpu.dma_semaphore, #tpu.memory_space<semaphore_mem>> -> memref<1x!tpu.dma_semaphore, #tpu.memory_space<semaphore_mem>>
    %dma_start3A_68 = tpu.memref_squeeze %dma_start3A_67 : memref<1x!tpu.dma_semaphore, #tpu.memory_space<semaphore_mem>> -> memref<!tpu.dma_semaphore, #tpu.memory_space<semaphore_mem>>
    %dma_start3A_69 = arith.constant 0 : i32
    %dma_start3A_70 = arith.constant 0 : i32
    %dma_start3A_71 = tpu.memref_slice %arg2[%dma_start3A_65, %dma_start3A_69, %dma_start3A_70] : memref<8x2720x128xf32, #tpu.memory_space<vmem>> -> memref<1x2720x128xf32, #tpu.memory_space<vmem>>
    %dma_start3A_72 = tpu.memref_squeeze %dma_start3A_71 : memref<1x2720x128xf32, #tpu.memory_space<vmem>> -> memref<2720x128xf32, #tpu.memory_space<vmem>>
    %dma_start3A_73 = arith.constant 118720 : i32
    %dma_start3A_74 = arith.constant 0 : i32
    %dma_start3A_75 = tpu.memref_slice %arg0[%dma_start3A_73, %dma_start3A_74] : memref<320000x128xf32, #tpu.memory_space<any>> -> memref<2720x128xf32, #tpu.memory_space<any>>
    tpu.enqueue_dma source(%dma_start3A_75 : memref<2720x128xf32, #tpu.memory_space<any>>) target(%dma_start3A_72 : memref<2720x128xf32, #tpu.memory_space<vmem>>) target_semaphore(%dma_start3A_68 : memref<!tpu.dma_semaphore, #tpu.memory_space<semaphore_mem>>)
    %dma_start3A_76 = arith.constant 7 : i32
    %dma_start3A_77 = arith.constant 7 : i32
    %dma_start3A_78 = tpu.memref_slice %arg3[%dma_start3A_77] : memref<8x!tpu.dma_semaphore, #tpu.memory_space<semaphore_mem>> -> memref<1x!tpu.dma_semaphore, #tpu.memory_space<semaphore_mem>>
    %dma_start3A_79 = tpu.memref_squeeze %dma_start3A_78 : memref<1x!tpu.dma_semaphore, #tpu.memory_space<semaphore_mem>> -> memref<!tpu.dma_semaphore, #tpu.memory_space<semaphore_mem>>
    %dma_start3A_80 = arith.constant 0 : i32
    %dma_start3A_81 = arith.constant 0 : i32
    %dma_start3A_82 = tpu.memref_slice %arg2[%dma_start3A_76, %dma_start3A_80, %dma_start3A_81] : memref<8x2720x128xf32, #tpu.memory_space<vmem>> -> memref<1x2720x128xf32, #tpu.memory_space<vmem>>
    %dma_start3A_83 = tpu.memref_squeeze %dma_start3A_82 : memref<1x2720x128xf32, #tpu.memory_space<vmem>> -> memref<2720x128xf32, #tpu.memory_space<vmem>>
    %dma_start3A_84 = arith.constant 121440 : i32
    %dma_start3A_85 = arith.constant 0 : i32
    %dma_start3A_86 = tpu.memref_slice %arg0[%dma_start3A_84, %dma_start3A_85] : memref<320000x128xf32, #tpu.memory_space<any>> -> memref<2720x128xf32, #tpu.memory_space<any>>
    tpu.enqueue_dma source(%dma_start3A_86 : memref<2720x128xf32, #tpu.memory_space<any>>) target(%dma_start3A_83 : memref<2720x128xf32, #tpu.memory_space<vmem>>) target_semaphore(%dma_start3A_79 : memref<!tpu.dma_semaphore, #tpu.memory_space<semaphore_mem>>)
    %broadcast_in_dim3A = arith.constant 0.000000e+00 : f32
    %broadcast_in_dim3A_87 = vector.broadcast %broadcast_in_dim3A : f32 to vector<8x128xf32>
    %broadcast_in_dim3A_88 = arith.constant 0.000000e+00 : f32
    %broadcast_in_dim3A_89 = vector.broadcast %broadcast_in_dim3A_88 : f32 to vector<8x128xf32>
    %broadcast_in_dim3A_90 = arith.constant 0.000000e+00 : f32
    %broadcast_in_dim3A_91 = vector.broadcast %broadcast_in_dim3A_90 : f32 to vector<8x128xf32>
    %broadcast_in_dim3A_92 = arith.constant 0.000000e+00 : f32
    %broadcast_in_dim3A_93 = vector.broadcast %broadcast_in_dim3A_92 : f32 to vector<8x128xf32>
    %scan3A = arith.constant 0 : i32
    %scan3A_94 = arith.constant 80 : i32
    %scan3A_95 = arith.addi %scan3A, %scan3A_94 : i32
    %scan3A_96 = arith.constant 1 : i32
    %scan3A_97:4 = scf.for %scan3A_103 = %scan3A to %scan3A_95 step %scan3A_96 iter_args(%scan3A_104 = %broadcast_in_dim3A_87, %scan3A_105 = %broadcast_in_dim3A_89, %scan3A_106 = %broadcast_in_dim3A_91, %scan3A_107 = %broadcast_in_dim3A_93) -> (vector<8x128xf32>, vector<8x128xf32>, vector<8x128xf32>, vector<8x128xf32>)  : i32 {
      %rem3A = arith.constant 8 : i32
      %rem3A_108 = arith.remsi %scan3A_103, %rem3A : i32
      %dma_wait3A = tpu.memref_slice %arg3[%rem3A_108] : memref<8x!tpu.dma_semaphore, #tpu.memory_space<semaphore_mem>> -> memref<1x!tpu.dma_semaphore, #tpu.memory_space<semaphore_mem>>
      %dma_wait3A_109 = tpu.memref_squeeze %dma_wait3A : memref<1x!tpu.dma_semaphore, #tpu.memory_space<semaphore_mem>> -> memref<!tpu.dma_semaphore, #tpu.memory_space<semaphore_mem>>
      %dma_wait3A_110 = arith.constant 0 : i32
      %dma_wait3A_111 = arith.constant 0 : i32
      %dma_wait3A_112 = tpu.memref_slice %arg2[%rem3A_108, %dma_wait3A_110, %dma_wait3A_111] : memref<8x2720x128xf32, #tpu.memory_space<vmem>> -> memref<1x2720x128xf32, #tpu.memory_space<vmem>>
      %dma_wait3A_113 = tpu.memref_squeeze %dma_wait3A_112 : memref<1x2720x128xf32, #tpu.memory_space<vmem>> -> memref<2720x128xf32, #tpu.memory_space<vmem>>
      %dma_wait3A_114 = arith.constant 102400 : i32
      %dma_wait3A_115 = arith.constant 0 : i32
      %dma_wait3A_116 = tpu.memref_slice %arg0[%dma_wait3A_114, %dma_wait3A_115] : memref<320000x128xf32, #tpu.memory_space<any>> -> memref<2720x128xf32, #tpu.memory_space<any>>
      tpu.wait_dma2 semaphore(%dma_wait3A_109 : memref<!tpu.dma_semaphore, #tpu.memory_space<semaphore_mem>>) src(%dma_wait3A_116 : memref<2720x128xf32, #tpu.memory_space<any>>) dst(%dma_wait3A_113 : memref<2720x128xf32, #tpu.memory_space<vmem>>)
      %get3A = arith.index_cast %rem3A_108 : i32 to index
      %get3A_117 = arith.constant 0 : index
      %get3A_118 = arith.constant 0 : index
      %get3A_119 = vector.load %arg2[%get3A, %get3A_117, %get3A_118] : memref<8x2720x128xf32, #tpu.memory_space<vmem>>, vector<1x680x128xf32>
      %get3A_120 = vector.shape_cast %get3A_119 : vector<1x680x128xf32> to vector<680x128xf32>
      %reshape3A = vector.shape_cast %get3A_120 : vector<680x128xf32> to vector<85x8x128xf32>
      %reduce_sum3A = arith.constant dense<0.000000e+00> : vector<8x128xf32>
      %reduce_sum3A_121 = vector.multi_reduction <add>, %reshape3A, %reduce_sum3A [0] : vector<85x8x128xf32> to vector<8x128xf32>
      %add3A_122 = arith.addf %scan3A_104, %reduce_sum3A_121 : vector<8x128xf32>
      %get3A_123 = arith.index_cast %rem3A_108 : i32 to index
      %get3A_124 = arith.constant 680 : index
      %get3A_125 = arith.constant 0 : index
      %get3A_126 = vector.load %arg2[%get3A_123, %get3A_124, %get3A_125] : memref<8x2720x128xf32, #tpu.memory_space<vmem>>, vector<1x680x128xf32>
      %get3A_127 = vector.shape_cast %get3A_126 : vector<1x680x128xf32> to vector<680x128xf32>
      %reshape3A_128 = vector.shape_cast %get3A_127 : vector<680x128xf32> to vector<85x8x128xf32>
      %reduce_sum3A_129 = arith.constant dense<0.000000e+00> : vector<8x128xf32>
      %reduce_sum3A_130 = vector.multi_reduction <add>, %reshape3A_128, %reduce_sum3A_129 [0] : vector<85x8x128xf32> to vector<8x128xf32>
      %add3A_131 = arith.addf %scan3A_105, %reduce_sum3A_130 : vector<8x128xf32>
      %get3A_132 = arith.index_cast %rem3A_108 : i32 to index
      %get3A_133 = arith.constant 1360 : index
      %get3A_134 = arith.constant 0 : index
      %get3A_135 = vector.load %arg2[%get3A_132, %get3A_133, %get3A_134] : memref<8x2720x128xf32, #tpu.memory_space<vmem>>, vector<1x680x128xf32>
      %get3A_136 = vector.shape_cast %get3A_135 : vector<1x680x128xf32> to vector<680x128xf32>
      %reshape3A_137 = vector.shape_cast %get3A_136 : vector<680x128xf32> to vector<85x8x128xf32>
      %reduce_sum3A_138 = arith.constant dense<0.000000e+00> : vector<8x128xf32>
      %reduce_sum3A_139 = vector.multi_reduction <add>, %reshape3A_137, %reduce_sum3A_138 [0] : vector<85x8x128xf32> to vector<8x128xf32>
      %add3A_140 = arith.addf %scan3A_106, %reduce_sum3A_139 : vector<8x128xf32>
      %get3A_141 = arith.index_cast %rem3A_108 : i32 to index
      %get3A_142 = arith.constant 2040 : index
      %get3A_143 = arith.constant 0 : index
      %get3A_144 = vector.load %arg2[%get3A_141, %get3A_142, %get3A_143] : memref<8x2720x128xf32, #tpu.memory_space<vmem>>, vector<1x680x128xf32>
      %get3A_145 = vector.shape_cast %get3A_144 : vector<1x680x128xf32> to vector<680x128xf32>
      %reshape3A_146 = vector.shape_cast %get3A_145 : vector<680x128xf32> to vector<85x8x128xf32>
      %reduce_sum3A_147 = arith.constant dense<0.000000e+00> : vector<8x128xf32>
      %reduce_sum3A_148 = vector.multi_reduction <add>, %reshape3A_146, %reduce_sum3A_147 [0] : vector<85x8x128xf32> to vector<8x128xf32>
      %add3A_149 = arith.addf %scan3A_107, %reduce_sum3A_148 : vector<8x128xf32>
      %add3A_150 = arith.constant 8 : i32
      %add3A_151 = arith.addi %scan3A_103, %add3A_150 : i32
      %lt3A = arith.constant 80 : i32
      %lt3A_152 = arith.cmpi slt, %add3A_151, %lt3A : i32
      %convert_element_type3A = arith.extui %lt3A_152 : i1 to i32
      %cond3A = arith.constant 0 : i32
      %cond3A_153 = arith.cmpi ne, %convert_element_type3A, %cond3A : i32
      scf.if %cond3A_153 {
        %add3A_154 = arith.constant 8 : i32
        %add3A_155 = arith.addi %scan3A_103, %add3A_154 : i32
        %mul3A = arith.constant 2720 : i32
        %mul3A_156 = arith.muli %add3A_155, %mul3A : i32
        %add3A_157 = arith.constant 102400 : i32
        %add3A_158 = arith.addi %add3A_157, %mul3A_156 : i32
        %dma_start3A_159 = tpu.memref_slice %arg3[%rem3A_108] : memref<8x!tpu.dma_semaphore, #tpu.memory_space<semaphore_mem>> -> memref<1x!tpu.dma_semaphore, #tpu.memory_space<semaphore_mem>>
        %dma_start3A_160 = tpu.memref_squeeze %dma_start3A_159 : memref<1x!tpu.dma_semaphore, #tpu.memory_space<semaphore_mem>> -> memref<!tpu.dma_semaphore, #tpu.memory_space<semaphore_mem>>
        %dma_start3A_161 = arith.constant 0 : i32
        %dma_start3A_162 = arith.constant 0 : i32
        %dma_start3A_163 = tpu.memref_slice %arg2[%rem3A_108, %dma_start3A_161, %dma_start3A_162] : memref<8x2720x128xf32, #tpu.memory_space<vmem>> -> memref<1x2720x128xf32, #tpu.memory_space<vmem>>
        %dma_start3A_164 = tpu.memref_squeeze %dma_start3A_163 : memref<1x2720x128xf32, #tpu.memory_space<vmem>> -> memref<2720x128xf32, #tpu.memory_space<vmem>>
        %dma_start3A_165 = arith.constant 0 : i32
        %dma_start3A_166 = tpu.memref_slice %arg0[%add3A_158, %dma_start3A_165] : memref<320000x128xf32, #tpu.memory_space<any>> -> memref<2720x128xf32, #tpu.memory_space<any>>
        tpu.enqueue_dma source(%dma_start3A_166 : memref<2720x128xf32, #tpu.memory_space<any>>) target(%dma_start3A_164 : memref<2720x128xf32, #tpu.memory_space<vmem>>) target_semaphore(%dma_start3A_160 : memref<!tpu.dma_semaphore, #tpu.memory_space<semaphore_mem>>)
      } else {
      }
      scf.yield %add3A_122, %add3A_131, %add3A_140, %add3A_149 : vector<8x128xf32>, vector<8x128xf32>, vector<8x128xf32>, vector<8x128xf32>
    }
    %scan3A_98 = arith.constant 80 : i32
    %add3A = arith.addf %scan3A_97#0, %scan3A_97#1 : vector<8x128xf32>
    %add3A_99 = arith.addf %add3A, %scan3A_97#2 : vector<8x128xf32>
    %add3A_100 = arith.addf %add3A_99, %scan3A_97#3 : vector<8x128xf32>
    %swap3A = arith.constant 0 : index
    %swap3A_101 = arith.constant 0 : index
    %swap3A_102 = vector.load %arg1[%swap3A, %swap3A_101] : memref<8x128xf32, #tpu.memory_space<vmem>>, vector<8x128xf32>
    tpu.vector_store %arg1[%swap3A, %swap3A_101], %add3A_100 {strides = array<i32>} : memref<8x128xf32, #tpu.memory_space<vmem>>, vector<8x128xf32>,
    return
  }
}

</mosaic_0001>

<sc_bundles>
// kernel: kernel.5.cloned.1.call-start
scs
__scs_entry_jumppad:
0x0: {  	(pc) =	sbr.rel $0x88, $3  }
0x1: {  	(tag) =	ssettag $0x0;
	lr =	simm.s32 $0x1  }
0x2: {  	[smem:$0x3F9D] =	sst lr;
	_ =	strace $0xD0000000  }
0x3: {  	_ = 	snop  }
0x4: {  	_ = 	snop  }
0x5: {  	_ = 	snop  }
0x6: {  	_ = 	snop  }
0x7: {  	_ = 	snop  }
__scs_overlays_trampoline_lowered:
0x8: {  	[smem:$0x3FAC] =	sst s0  }
0x9: {  	[smem:$0x3FAD] =	sst s1  }
0xa: {  	[smem:$0x3FAE] =	sst s2  }
0xb: {  	[smem:$0x3FAF] =	sst s3  }
0xc: {  	[smem:$0x3FB0] =	sst s4  }
0xd: {  	[smem:$0x3FB1] =	sst s5  }
0xe: {  	[smem:$0x3FB2] =	sst s6  }
0xf: {  	[smem:$0x3FB3] =	sst s7  }
0x10: {  	[smem:$0x3FB4] =	sst s8  }
0x11: {  	[smem:$0x3FB5] =	sst s9;
	s0 =	simm.s32 @!p0 $0x0  }
0x12: {  	s1 =	sld [smem:$0x3F9B];
	s0 =	simm.s32 @p0 $0x1  }
0x13: {  	[smem:$0x3FB6] =	sst s0;
	s0 =	simm.s32 @!p1 $0x0  }
0x14: {  	s2 =	sld [smem:$0x3F9A];
	s0 =	simm.s32 @p1 $0x1  }
0x15: {  	[smem:$0x3FB7] =	sst s0;
	s0 =	simm.s32 @!p2 $0x0  }
0x16: {  	s3 =	sld [smem:$0x3FDB];
	s0 =	simm.s32 @p2 $0x1  }
0x17: {  	s4 =	simm.s32 $0x1BF5;
	[smem:$0x3FB9] =	sst s0  }
0x18: {  	s0 =	sld [smem:$0x3F9C];
	_ =	swait.ge [sflag:s4], $0x0  }
0x19: {  	s7 =	sld [smem:$0x3F9D]  }
0x1a: {  	s8 =	sadd.s32 $0xFFFFE003, lr  }
0x1b: {  	s9 =	sadd.s32 $0xFFFFFEF7, lr;
	s5 =	simm.s32 $0xFFFFFFFF;
	p2 =	slt.u32 s8, $0xFFFFF086  }
0x1c: {  	p1 =	slt.u32 s9, $0xF7A;
	s5 =	simm.s32 @!p2 $0x0  }
0x1d: {  	s5 =	simm.s32 @p1 $0x1;
	p0 =	seq.s32 s7, s2  }
0x1e: {  	s7 =	smul.u32 @!p0 $0xF7A, s2;
	p2 =	seq.s32 @!p0 s5, $0x0  }
0x1f: {  	s9 =	smul.u32 $0xF7A, s1;
	s8 =	simm.s32 @!p0 $0x1BF5;
	p2 =	por !p2, p0  }
0x20: {  	[sflag:s8] =	ssyncset.s32 @!p0 $0xFFFFF086;
	s6 =	sadd.s32 @!p0 s3, s7;
	s7 =	simm.s32 @!p0 $0x108  }
0x21: {  	s3 =	sadd.s32 s3, s9;
	s6 =	sadd.s32 @!p0 $0x88, s6;
	s7 =	simm.s32 @p2 $0x1082  }
0x22: {  	[simem:s7], [sflag:s8] =	dma.local @!p0 [hbm:s6], $0xF7A  }
0x23: {  	s9 =	sor.u32 $0xD0000000, s2;
	s6 =	simm.s32 $0x108;
	_ =	swait.ge @!p0 [sflag:s8], $0x0  }
0x24: {  	s3 =	sadd.s32 $0x88, s3;
	s6 =	simm.s32 @!p1 $0x1082;
	[sflag:s4] =	ssyncset.s32 $0xFFFFF086  }
0x25: {  	[simem:s6], [sflag:s4] =	dma.local [hbm:s3], $0xF7A  }
0x26: {  	[smem:$0x3F9D] =	sst s1;
	(tag) =	ssettag s2;
	_ =	strace s9  }
0x27: {  	s1 =	sld [smem:$0x3FAD]  }
0x28: {  	s2 =	sld [smem:$0x3FAE]  }
0x29: {  	s4 =	sld [smem:$0x3FB0]  }
0x2a: {  	p0 =	seq.s32 s5, $0x0;
	s5 =	sld [smem:$0x3FB1]  }
0x2b: {  	s6 =	sld [smem:$0x3FB2]  }
0x2c: {  	s7 =	sld [smem:$0x3FB3]  }
0x2d: {  	s3 =	simm.s32 $0x108;
	s8 =	sld [smem:$0x3FB4]  }
0x2e: {  	s3 =	simm.s32 @!p0 $0x1082;
	s9 =	sld [smem:$0x3FB5]  }
0x2f: {  	lr =	sadd.s32 s0, s3;
	s0 =	sld [smem:$0x3FAC]  }
0x30: {  	s3 =	sld [smem:$0x3FAF]  }
0x31: {  	[smem:$0x3FB8] =	sst s10  }
0x32: {  	s10 =	sld [smem:$0x3FB6];
	_ =	sdelay $0x3  }
0x33: {  	p0 =	seq.s32 s10, $0x1;
	s10 =	sld [smem:$0x3FB8];
	_ =	sdelay $0x3  }
0x34: {  	[smem:$0x3FB8] =	sst s10  }
0x35: {  	s10 =	sld [smem:$0x3FB7];
	_ =	sdelay $0x3  }
0x36: {  	p1 =	seq.s32 s10, $0x1;
	s10 =	sld [smem:$0x3FB8];
	_ =	sdelay $0x3  }
0x37: {  	[smem:$0x3FB8] =	sst s10  }
0x38: {  	s10 =	sld [smem:$0x3FB9]  }
0x39: {  	_ = 	snop;
	(pc) =	sbr.ind lr, $3  }
0x3a: {  	_ = 	snop  }
0x3b: {  	_ = 	snop  }
0x3c: {  	p2 =	seq.s32 s10, $0x1;
	s10 =	sld [smem:$0x3FB8]  }
0x3d: {  	_ =	shalt  }
0x3e: {  	_ =	shalt  }
0x3f: {  	_ =	shalt  }
0x40: {  	_ =	shalt  }
0x41: {  	_ =	shalt  }
0x42: {  	_ =	shalt  }
0x43: {  	_ =	shalt  }
0x44: {  	_ =	shalt  }
0x45: {  	_ =	shalt  }
0x46: {  	_ =	shalt  }
0x47: {  	_ =	shalt  }
0x48: {  	_ =	shalt  }
0x49: {  	_ =	shalt  }
0x4a: {  	_ =	shalt  }
0x4b: {  	_ =	shalt  }
0x4c: {  	_ =	shalt  }
0x4d: {  	_ =	shalt  }
0x4e: {  	_ =	shalt  }
0x4f: {  	_ =	shalt  }
0x50: {  	_ =	shalt  }
0x51: {  	_ =	shalt  }
0x52: {  	_ =	shalt  }
0x53: {  	_ =	shalt  }
0x54: {  	_ =	shalt  }
0x55: {  	_ =	shalt  }
0x56: {  	_ =	shalt  }
0x57: {  	_ =	shalt  }
0x58: {  	_ =	shalt  }
0x59: {  	_ =	shalt  }
0x5a: {  	_ =	shalt  }
0x5b: {  	_ =	shalt  }
0x5c: {  	_ =	shalt  }
0x5d: {  	_ =	shalt  }
0x5e: {  	_ =	shalt  }
0x5f: {  	_ =	shalt  }
0x60: {  	_ =	shalt  }
0x61: {  	_ =	shalt  }
0x62: {  	_ =	shalt  }
0x63: {  	_ =	shalt  }
0x64: {  	_ =	shalt  }
0x65: {  	_ =	shalt  }
0x66: {  	_ =	shalt  }
0x67: {  	_ =	shalt  }
0x68: {  	_ =	shalt  }
0x69: {  	_ =	shalt  }
0x6a: {  	_ =	shalt  }
0x6b: {  	_ =	shalt  }
0x6c: {  	_ =	shalt  }
0x6d: {  	_ =	shalt  }
0x6e: {  	_ =	shalt  }
0x6f: {  	_ =	shalt  }
0x70: {  	_ =	shalt  }
0x71: {  	_ =	shalt  }
0x72: {  	_ =	shalt  }
0x73: {  	_ =	shalt  }
0x74: {  	_ =	shalt  }
0x75: {  	_ =	shalt  }
0x76: {  	_ =	shalt  }
0x77: {  	_ =	shalt  }
0x78: {  	_ =	shalt  }
0x79: {  	_ =	shalt  }
0x7a: {  	_ =	shalt  }
0x7b: {  	_ =	shalt  }
0x7c: {  	_ =	shalt  }
0x7d: {  	_ =	shalt  }
0x7e: {  	_ =	shalt  }
0x7f: {  	_ =	shalt  }
0x80: {  	_ =	shalt  }
0x81: {  	_ =	shalt  }
0x82: {  	_ =	shalt  }
0x83: {  	_ =	shalt  }
0x84: {  	_ =	shalt  }
0x85: {  	_ =	shalt  }
0x86: {  	_ =	shalt  }
0x87: {  	_ =	shalt  }
.Lfunc_end0:
.L_simem_size_0:
called_computation_lowered:
.L_overlay_start_0:
0x88: {  	s2 =	sld [smem:$0x3FD9]  }
0x89: {  	s3 =	sld [smem:$0x3FFE];
	_ =	sdelay $0x1  }
0x8a: {  	s1 =	srdreg.scid  }
0x8b: {  	s0 =	sand.u32 $0x1, s1  }
0x8c: {  	s17 =	sshll.u32 s0, $0xA;
	s2 =	sadd.s32 s3, s2  }
0x8d: {  	s2 =	sadd.s32 s2, s17  }
0x8e: {  	[smem:$0x3FC4] =	sst s2  }
0x8f: {  	_ = 	snop  }
0x90: {  	s2 =	sld [smem:$0x3FC9];
	(tm) =	ssettm $0x1  }
0x91: {  	s18 =	sld [smem:$0x3FFB];
	_ =	sdelay $0x3  }
0x92: {  	_ =	strace s18  }
0x93: {  	s3 =	sld [smem:$0x3FFC];
	_ =	sdelay $0x3  }
0x94: {  	_ =	strace s3  }
0x95: {  	s3 =	sld [smem:$0x3FFD];
	_ =	sdelay $0x3  }
0x96: {  	_ =	strace s3  }
0x97: {  	_ =	strace $0x8FFFFFFF  }
0x98: {  	s19 =	sld [smem:$0x3FDB];
	_ =	sdelay $0x1  }
0x99: {  	s4 =	simm.s32 $_scs_section_size  }
0x9a: {  	s5 =	simm.s32 $_size__tile_overlayer_lowered;
	s6 =	simm.s32 $_tile_overlayer_lowered  }
0x9b: {  	s22 =	simm.s32 $0x1BFF;
	s21 =	sshll.u32 s6, $0x1;
	s3 =	sadd.s32 s4, s19  }
0x9c: {  	s7 =	simm.s32 $0x0;
	s20 =	sshll.u32 s5, $0x1;
	s5 =	sadd.s32 s21, s3  }
0x9d: {  	[timem:s7], [sflag:s22] =	dma.local [hbm:s5], s20  }
0x9e: {  	_ =	swait.ge [sflag:s22], s20  }
0x9f: {  	s4 =	ssub.s32 $0x0, s20;
	[sflag:s22] =	ssyncset.done $0x0  }
0xa0: {  	[sflag:s22] =	ssyncadd.s32 s4;
	_ =	sdelay $0x1  }
0xa1: {  	s23 =	simm.s32 $0x1B8B  }
0xa2: {  	_ =	swait.ge [sflag:s23], $0x1  }
0xa3: {  	[sflag:s23] =	ssyncset.done $0x0  }
0xa4: {  	s25 =	simm.s32 $0x1B8E;
	s24 =	sld [smem:$0x3FFE];
	[sflag:s23] =	ssyncadd.s32 $0xFFFFFFFF  }
0xa5: {  	s26 =	simm.s32 $execute0_lowered;
	[smem:$0x3FD2] =	sst s25  }
0xa6: {  	s5 =	sshll.u32 s26, $0x1;
	_ =	strace $0x80000046;
	[dreg:$0x1] =	wrdreg $0xFFFFFFFF  }
0xa7: {  	s28 =	simm.s32 $_size_execute0_lowered;
	s3 =	sadd.s32 s3, s5;
	[dreg:$0x0] =	wrdreg $0x0  }
0xa8: {  	s5 =	sshll.u32 s28, $0x1;
	[dreg:$0x2] =	wrdreg s3  }
0xa9: {  	[dreg:$0x3] =	wrdreg s5  }
0xaa: {  	[dreg:$0x4] =	wrdreg $0xC0  }
0xab: {  	_ =	task [dreg:s7], $0x5FFFF  }
0xac: {  	[dreg:$0x1] =	wrdreg $0xFFFFFFFF  }
0xad: {  	[dreg:$0x0] =	wrdreg $0x60  }
0xae: {  	[dreg:$0x2] =	wrdreg s2  }
0xaf: {  	[dreg:$0x3] =	wrdreg s24  }
0xb0: {  	[dreg:$0x4] =	wrdreg $0x9  }
0xb1: {  	_ =	task.clear_ibuf [dreg:s7], $0x5FFFF;
	_ =	strace $0x90000046  }
0xb2: {  	s29 =	simm.s32 $0x9;
	_ =	strace $0x80000048  }
0xb3: {  	_ =	swait.ge [sflag:s29], $0x1  }
0xb4: {  	[sflag:s29] =	ssyncadd.s32 $0xFFFFFFFF  }
0xb5: {  	_ =	strace $0x90000048  }
0xb6: {  	_ =	sfence  }
0xb7: {  	s30 =	sld [smem:$0x0];
	_ =	sdelay $0x2  }
0xb8: {  	s31 =	sshll.u32 s1, $0xD;
	s1 =	sshrl.u32 s1, $0x2  }
0xb9: {  	s3 =	sand.u32 $0x4000, s31;
	s1 =	sadd.s32 s1, s30  }
0xba: {  	s0 =	sor.u32 s3, s0;
	s1 =	sshll.u32 s1, $0x11  }
0xbb: {  	s0 =	sor.u32 s1, s0  }
0xbc: {  	s0 =	sadd.s32 $0x8F2B, s0  }
0xbd: {  	[sflag:s0] =	ssyncadd.remote.s32 $0x1  }
0xbe: {  	_ =	sfence.sel $0xFFFF  }
0xbf: {  	[dreg:$0x0] =	wrdreg $0xFFFFFFFF;
	(pc) =	sbr.abs _section_cstart, $3  }
0xc0: {  	[dreg:$0x1] =	wrdreg $0xFFFFFFFF  }
0xc1: {  	_ =	task.clear_ibuf [dreg:s7], $0x2FFFF;
	_ =	strace $0x9FFFFFFF  }
0xc2: {  	(tm) =	ssettm $0x7FFFFFFF  }
0xc3: {  	_ =	shalt  }
tec
execute0_lowered:
.L_overlay_start_1:
0x0: {  	(tag) =	ssettag $0x1  }
0x1: {  	s2 =	rddreg [dreg:$0x0]  }
0x2: {  	s4 =	rddreg [dreg:$0x1]  }
0x3: {  	s5 =	srdreg.scid;
	s1 =	stileid.u32  }
0x4: {  	s0 =	rddreg [dreg:$0x2];
	s5 =	sand.u32 $0x1, s5;
	s6 =	sshll.u32 s1, $0x1  }
0x5: {  	s3 =	simm.s32 $0x0;
	s11 =	simm.s32 $0x1;
	s6 =	sor.u32 s5, s6  }
0x6: {  	s12 =	simm.s32 $0x2;
	s13 =	simm.s32 $0xC800;
	s7 =	smul.u32 $0x64000, s6  }
0x7: {  	s14 =	simm.s32 $0x3;
	s15 =	simm.s32 $0x0;
	s9 =	smul.u32 $0xC80, s6  }
0x8: {  	s5 =	ssub.s32 $0x2, s5;
	s8 =	sshll.u32 s6, $0x4;
	s6 =	smul.u32 $0xC800, s6  }
.Ltmp0:
0x9: {  	[smem:$0x7FF] =	sst s3;
	s10 =	sshrl.u32 s5, $0x1;
	(pc) =	sbr.rel .LBB2_1-.Ltmp0, $4  }
0xa: {  	_ =	strace $0x80000047;
	s8 =	sadd.s32 s8, s4;
	s10 =	ssub.s32 s5, s10  }
0xb: {  	s7 =	sshrl.u32 s7, $0x3;
	s4 =	sadd.s32 s2, s6;
	s6 =	sadd.s32 $0x190, s9  }
0xc: {  	s8 =	sadd.s32 $0xC00, s8;
	s31 =	sadd.s32 s2, s7;
	s7 =	sadd.s32 $0x258, s9  }
0xd: {  	s9 =	smax.u32 s10, $0x1;
	s10 =	simm.s32 $0x6400;
	s5 =	sadd.s32 $0xC80, s31  }
.LBB2_8:
0xe: {  	[tilespmem:$0xC820] =	vst v16  }
0xf: {  	[tilespmem:$0xC830] =	vst v12  }
0x10: {  	[tilespmem:$0xC840] =	vst v3  }
0x11: {  	[tilespmem:$0xC850] =	vst v2  }
0x12: {  	[tilespmem:$0xC860] =	vst v1  }
0x13: {  	[tilespmem:$0xC870] =	vst v0;
	s15 =	sadd.s32 $0x1, s15  }
0x14: {  	[tilespmem:$0xC800] =	vst v7;
	p0 =	sne.s32 s15, s9  }
.Ltmp1:
0x15: {  	[tilespmem:$0xC810] =	vst v6;
	(pc) =	sbr.rel @!p0 .LBB2_9-.Ltmp1, $4  }
0x16: {  	[hbm4b:s8+s3] =	stream.linear.scatter [tilespmem:s13], [sflag:$0x3], $0x80, $0x38;
	[tilespmem:$0xC880] =	vst v63  }
0x17: {  	_ =	swait.ge [sflag:s14], $0x80  }
0x18: {  	[sflag:s14] =	ssyncset.done $0x0  }
0x19: {  	[sflag:s14] =	ssyncadd.s32 $0xFFFFFF80  }
.LBB2_1:
0x1a: {  	[tilespmem:s3], [sflag:$0x1] =	stream.linear.gather [hbm4b:s4+s3], $0x6400, $0x38;
	v0 =	vimm.f32 $0.0e+00;
	v1 =	vimm.f32 $0.0e+00;
	[tilespmem:$0xC880] =	vst v63  }
0x1b: {  	v2 =	vimm.f32 $0.0e+00;
	v3 =	vimm.f32 $0.0e+00;
	v12 =	vimm.f32 $0.0e+00;
	s16 =	simm.s32 $0x0  }
0x1c: {  	v16 =	vimm.f32 $0.0e+00;
	v6 =	vimm.f32 $0.0e+00;
	v7 =	vimm.f32 $0.0e+00;
	[tilespmem:s10], [sflag:$0x2] =	stream.linear.gather [hbm4b:s5+s3], $0x6400, $0x38;
	[tilespmem:$0xC880] =	vst v63  }
.LBB2_2:
0x1d: {  	_ =	swait.ge [sflag:s11], $0x6400  }
0x1e: {  	[sflag:s11] =	ssyncset.done $0x0  }
0x1f: {  	s18 =	simm.s32 $0x80;
	[sflag:s11] =	ssyncadd.s32 $0xFFFF9C00  }
0x20: {  	v9 =	vld [tilespmem:s18+$0x0]  }
0x21: {  	v11 =	vld [tilespmem:s18+$0x10]  }
0x22: {  	v8 =	vld [tilespmem:s18+$0x20]  }
0x23: {  	v10 =	vld [tilespmem:s18+$0x30]  }
0x24: {  	v4 =	vld [tilespmem:s18+$0x40]  }
0x25: {  	v5 =	vld [tilespmem:s18+$0x50]  }
0x26: {  	v13 =	vld [tilespmem:s18+$0xFFFFFF80]  }
0x27: {  	v18 =	vld [tilespmem:s18+$0xFFFFFF90]  }
0x28: {  	v19 =	vld [tilespmem:s18+$0xFFFFFFA0]  }
0x29: {  	v21 =	vld [tilespmem:s18+$0xFFFFFFB0]  }
0x2a: {  	v15 =	vld [tilespmem:s18+$0xFFFFFFC0]  }
0x2b: {  	v17 =	vld [tilespmem:s18+$0xFFFFFFD0]  }
0x2c: {  	v14 =	vld [tilespmem:s18+$0xFFFFFFE0]  }
0x2d: {  	v7 =	vadd.f32 v13, v7;
	v13 =	vadd.f32 v18, v6;
	v18 =	vld [tilespmem:s18+$0xFFFFFFF0]  }
0x2e: {  	v20 =	vadd.f32 v19, v16;
	v21 =	vadd.f32 v21, v12;
	v16 =	vld [tilespmem:s18+$0x60]  }
0x2f: {  	s17 =	simm.s32 $0x0;
	v19 =	vld [tilespmem:s18+$0x70];
	s18 =	simm.s32 $0x180;
	v6 =	vadd.f32 v9, v7;
	v7 =	vadd.f32 v11, v13  }
.LBB2_3:
0x30: {  	v9 =	vld [tilespmem:s18+$0x0];
	v11 =	vadd.f32 v8, v20;
	v12 =	vadd.f32 v10, v21  }
0x31: {  	v3 =	vadd.f32 v15, v3;
	v2 =	vadd.f32 v17, v2;
	v13 =	vld [tilespmem:s18+$0x10]  }
0x32: {  	v1 =	vadd.f32 v14, v1;
	v8 =	vld [tilespmem:s18+$0x20];
	v0 =	vadd.f32 v18, v0  }
0x33: {  	v3 =	vadd.f32 v4, v3;
	v2 =	vadd.f32 v5, v2;
	v10 =	vld [tilespmem:s18+$0x30]  }
0x34: {  	v1 =	vadd.f32 v16, v1;
	v4 =	vld [tilespmem:s18+$0x40];
	v0 =	vadd.f32 v19, v0  }
0x35: {  	v5 =	vld [tilespmem:s18+$0x50]  }
0x36: {  	v16 =	vld [tilespmem:s18+$0xFFFFFF80]  }
0x37: {  	v18 =	vld [tilespmem:s18+$0xFFFFFF90]  }
0x38: {  	v19 =	vld [tilespmem:s18+$0xFFFFFFA0]  }
0x39: {  	s17 =	sadd.s32 $0x2, s17;
	v21 =	vld [tilespmem:s18+$0xFFFFFFB0]  }
0x3a: {  	p0 =	slt.u32 s17, $0xC6;
	v15 =	vld [tilespmem:s18+$0xFFFFFFC0]  }
.Ltmp2:
0x3b: {  	v17 =	vld [tilespmem:s18+$0xFFFFFFD0];
	(pc) =	sbr.rel @p0 .LBB2_3-.Ltmp2, $4  }
0x3c: {  	v14 =	vld [tilespmem:s18+$0xFFFFFFE0]  }
0x3d: {  	v6 =	vadd.f32 v16, v6;
	v7 =	vadd.f32 v18, v7;
	v18 =	vld [tilespmem:s18+$0xFFFFFFF0]  }
0x3e: {  	v20 =	vadd.f32 v19, v11;
	v21 =	vadd.f32 v21, v12;
	v16 =	vld [tilespmem:s18+$0x60]  }
0x3f: {  	v6 =	vadd.f32 v9, v6;
	v7 =	vadd.f32 v13, v7;
	v19 =	vld [tilespmem:s18+$0x70];
	s18 =	sadd.s32 $0x100, s18  }
0x40: {  	p0 =	seq.s32 s16, $0x7  }
0x41: {  	s17 =	smul.u32 @!p0 $0x190, s16;
	_ =	sdelay $0x1  }
0x42: {  	s17 =	sadd.s32 @!p0 s17, s6  }
0x43: {  	s17 =	sshll.u32 @!p0 s17, $0x4  }
0x44: {  	s18 =	simm.s32 @!p0 $0x0;
	s17 =	sadd.s32 @!p0 s2, s17  }
0x45: {  	[tilespmem:s18], [sflag:$0x1] =	stream.linear.gather @!p0 [hbm4b:s17+s18], $0x6400, $0x38;
	[tilespmem:$0xC880] =	vst v63  }
0x46: {  	_ =	swait.ge [sflag:s12], $0x6400  }
0x47: {  	[sflag:s12] =	ssyncset.done $0x0  }
0x48: {  	s31 =	simm.s32 $0x6480;
	[sflag:s12] =	ssyncadd.s32 $0xFFFF9C00  }
0x49: {  	v22 =	vld [tilespmem:s31+$0x0]  }
0x4a: {  	v23 =	vld [tilespmem:s31+$0x10]  }
0x4b: {  	v12 =	vld [tilespmem:s31+$0x20]  }
0x4c: {  	v13 =	vld [tilespmem:s31+$0x30]  }
0x4d: {  	v9 =	vld [tilespmem:s31+$0x40]  }
0x4e: {  	v11 =	vld [tilespmem:s31+$0x50]  }
0x4f: {  	v24 =	vld [tilespmem:s31+$0xFFFFFF80]  }
0x50: {  	v25 =	vld [tilespmem:s31+$0xFFFFFF90]  }
0x51: {  	v20 =	vadd.f32 v8, v20;
	v10 =	vadd.f32 v10, v21;
	v63 =	vld [tilespmem:s31+$0xFFFFFFA0]  }
0x52: {  	v3 =	vadd.f32 v15, v3;
	v2 =	vadd.f32 v17, v2;
	v15 =	vld [tilespmem:s31+$0xFFFFFFB0]  }
0x53: {  	v14 =	vadd.f32 v14, v1;
	v17 =	vadd.f32 v18, v0;
	v8 =	vld [tilespmem:s31+$0xFFFFFFC0]  }
0x54: {  	v0 =	vadd.f32 v4, v3;
	v1 =	vadd.f32 v5, v2;
	v4 =	vld [tilespmem:s31+$0xFFFFFFD0]  }
0x55: {  	v2 =	vadd.f32 v16, v14;
	v3 =	vadd.f32 v19, v17;
	v5 =	vld [tilespmem:s31+$0xFFFFFFE0]  }
0x56: {  	v14 =	vld [tilespmem:s31+$0xFFFFFFF0];
	v6 =	vadd.f32 v24, v6;
	v18 =	vadd.f32 v25, v7  }
0x57: {  	v16 =	vadd.f32 v63, v20;
	v17 =	vadd.f32 v15, v10;
	v10 =	vld [tilespmem:s31+$0x60]  }
0x58: {  	s17 =	simm.s32 $0x0;
	s18 =	simm.s32 $0x6580;
	v15 =	vld [tilespmem:s31+$0x70];
	v7 =	vadd.f32 v22, v6;
	v6 =	vadd.f32 v23, v18  }
.LBB2_5:
0x59: {  	v18 =	vld [tilespmem:s18+$0x0];
	v16 =	vadd.f32 v12, v16;
	v17 =	vadd.f32 v13, v17  }
0x5a: {  	v0 =	vadd.f32 v8, v0;
	v1 =	vadd.f32 v4, v1;
	v19 =	vld [tilespmem:s18+$0x10]  }
0x5b: {  	v2 =	vadd.f32 v5, v2;
	v12 =	vld [tilespmem:s18+$0x20];
	v3 =	vadd.f32 v14, v3  }
0x5c: {  	v0 =	vadd.f32 v9, v0;
	v1 =	vadd.f32 v11, v1;
	v13 =	vld [tilespmem:s18+$0x30]  }
0x5d: {  	v2 =	vadd.f32 v10, v2;
	v9 =	vld [tilespmem:s18+$0x40];
	v3 =	vadd.f32 v15, v3  }
0x5e: {  	v11 =	vld [tilespmem:s18+$0x50]  }
0x5f: {  	v10 =	vld [tilespmem:s18+$0xFFFFFF80]  }
0x60: {  	v14 =	vld [tilespmem:s18+$0xFFFFFF90]  }
0x61: {  	v15 =	vld [tilespmem:s18+$0xFFFFFFA0]  }
0x62: {  	s17 =	sadd.s32 $0x2, s17;
	v20 =	vld [tilespmem:s18+$0xFFFFFFB0]  }
0x63: {  	p1 =	slt.u32 s17, $0xC6;
	v8 =	vld [tilespmem:s18+$0xFFFFFFC0]  }
.Ltmp3:
0x64: {  	v4 =	vld [tilespmem:s18+$0xFFFFFFD0];
	(pc) =	sbr.rel @p1 .LBB2_5-.Ltmp3, $4  }
0x65: {  	v5 =	vld [tilespmem:s18+$0xFFFFFFE0]  }
0x66: {  	v7 =	vadd.f32 v10, v7;
	v6 =	vadd.f32 v14, v6;
	v14 =	vld [tilespmem:s18+$0xFFFFFFF0]  }
0x67: {  	v16 =	vadd.f32 v15, v16;
	v17 =	vadd.f32 v20, v17;
	v10 =	vld [tilespmem:s18+$0x60]  }
0x68: {  	v7 =	vadd.f32 v18, v7;
	v6 =	vadd.f32 v19, v6;
	v15 =	vld [tilespmem:s18+$0x70];
	s18 =	sadd.s32 $0x100, s18  }
.Ltmp4:
0x69: {  	v16 =	vadd.f32 v12, v16;
	v12 =	vadd.f32 v13, v17;
	(pc) =	sbr.rel @p0 .LBB2_8-.Ltmp4, $4  }
0x6a: {  	v0 =	vadd.f32 v8, v0;
	v1 =	vadd.f32 v4, v1  }
0x6b: {  	v4 =	vadd.f32 v5, v2;
	v5 =	vadd.f32 v14, v3  }
0x6c: {  	v3 =	vadd.f32 v9, v0;
	v2 =	vadd.f32 v11, v1  }
0x6d: {  	v1 =	vadd.f32 v10, v4;
	v0 =	vadd.f32 v15, v5  }
0x6e: {  	s17 =	smul.u32 $0x190, s16  }
.Ltmp5:
0x6f: {  	_ = 	snop;
	(pc) =	sbr.rel .LBB2_2-.Ltmp5, $4  }
0x70: {  	s17 =	sadd.s32 s17, s7  }
0x71: {  	s17 =	sshll.u32 s17, $0x4  }
0x72: {  	s16 =	sadd.s32 $0x1, s16;
	s17 =	sadd.s32 s2, s17  }
0x73: {  	[tilespmem:s10], [sflag:$0x2] =	stream.linear.gather [hbm4b:s17+s3], $0x6400, $0x38;
	[tilespmem:$0xC880] =	vst v63  }
.LBB2_9:
0x74: {  	_ =	sfence.sel $0x180000  }
0x75: {  	[bflag:$0x0] =	sbarrier.arrive $0xFFFF  }
0x76: {  	p0 =	sne.s32 s1, $0x0;
	_ =	strace $0x90000047  }
0x77: {  	s0 =	sadd.s32 @!p0 $0x100000, s0;
	[bflag:$0x2] =	sbarrier.arrive $0xFFFF  }
0x78: {  	[sflag:s0] =	ssyncadd.tile.s32 @!p0 $0x1;
	_ =	shalt  }
.Lfunc_end2:
_tile_overlayer_lowered:
.L_overlay_start_2:
0x79: {  	(tag) =	ssettag $0x2  }
0x7a: {  	s0 =	rddreg [dreg:$0x0];
	s2 =	stileid.u32  }
0x7b: {  	s1 =	rddreg [dreg:$0x1];
	p0 =	sne.s32 s2, $0x0  }
0x7c: {  	s3 =	rddreg [dreg:$0x2];
	[bflag:$0x3] =	sbarrier.arrive $0xFFFF;
	s2 =	simm.s32 @!p0 $0x1C03  }
0x7d: {  	[timem:s3], [sflag:s2] =	dma.local @!p0 [hbm:s0], s1  }
0x7e: {  	s0 =	simm.s32 @!p0 $0x3  }
0x7f: {  	_ =	swait.ge @!p0 [sflag:s0], s1  }
0x80: {  	s1 =	ssub.s32 @!p0 $0x0, s1;
	[sflag:s0] =	ssyncset.done @!p0 $0x0  }
0x81: {  	[sflag:s0] =	ssyncadd.s32 @!p0 s1  }
0x82: {  	[bflag:$0x3] =	sbarrier.arrive $0xFFFF  }
0x83: {  	_ =	shalt  }

</sc_bundles>
